<compile_context>
chip_gen: v7x
topology: tpu7x:2x2x1
jax: 0.10.2.dev20260603
libtpu: 0.0.44.dev20260713+nightly
codegen_flags: <defaults>
</compile_context>

<pallas_src>
import functools

import jax
import jax.numpy as jnp
from jax import lax
from jax.experimental import pallas as pl
from jax.experimental.pallas import tpu as pltpu
from jax.experimental.pallas import tpu_sc as plsc

F32 = jnp.float32
I32 = jnp.int32

N = 10000
NP = 10240
E = 320000
EP = 327680
NCH = EP // 128
RPT = NP // 16
G = 64
GP = 128


def _mesh():
    return plsc.VectorSubcoreMesh(core_axis_name="c", subcore_axis_name="s")



def _make_deg():
    CPT = NCH // 32

    @functools.partial(
        pl.kernel,
        out_type=jax.ShapeDtypeStruct((2 * NP,), F32),
        mesh=_mesh(),
        scratch_types=[
            pltpu.VMEM((CPT, 128), I32),
            pltpu.VMEM((128,), F32),
            pltpu.VMEM((RPT,), F32),
            pltpu.VMEM_SHARED((NP,), F32),
        ],
    )
    def deg_kernel(degI, zrow1d, ones_h, out, dst_v, ones_v, row_v, acc):
        cid = lax.axis_index("c")
        sid = lax.axis_index("s")
        pltpu.sync_copy(zrow1d, row_v)
        pltpu.sync_copy(row_v, acc.at[pl.ds(sid * RPT, RPT)])
        pltpu.sync_copy(degI.at[cid].at[pl.ds(sid * CPT, CPT)], dst_v)
        pltpu.sync_copy(ones_h, ones_v)
        plsc.subcore_barrier()

        def body(j, carry):
            pltpu.sync_copy(ones_v, acc.at[dst_v.at[j]], add=True)
            return carry

        lax.fori_loop(0, CPT, body, 0)
        plsc.subcore_barrier()
        off = pl.multiple_of(cid * NP + sid * RPT, 8)
        pltpu.sync_copy(acc.at[pl.ds(sid * RPT, RPT)], row_v)
        pltpu.sync_copy(row_v, out.at[pl.ds(off, RPT)])

    return deg_kernel


def _make_agg(CPT, IB):
    SUBPT = CPT * 2
    NBI = SUBPT // IB
    assert SUBPT % IB == 0

    @functools.partial(
        pl.kernel,
        out_type=jax.ShapeDtypeStruct((2, NP, 128), F32),
        mesh=_mesh(),
        scratch_types=[
            pltpu.VMEM((IB, 64), I32),
            pltpu.VMEM((IB, 64), I32),
            pltpu.VMEM((64, 128), F32),
            pltpu.VMEM((64, 128), F32),
            pltpu.VMEM((64, 128), F32),
            pltpu.VMEM((64, 128), F32),
            pltpu.SemaphoreType.DMA,
            pltpu.SemaphoreType.DMA,
            pltpu.SemaphoreType.DMA,
            pltpu.SemaphoreType.DMA,
            pltpu.VMEM_SHARED((NP, 128), F32),
        ],
    )
    def agg_kernel(table, srcA, srcB, dstA, dstB, zrows, out,
                   src_v, dst_v, b0, b1, b2, b3, s0, s1, s2, s3, acc):
        cid = lax.axis_index("c")
        sid = lax.axis_index("s")
        pltpu.sync_copy(zrows, acc.at[pl.ds(sid * RPT, RPT)])
        plsc.subcore_barrier()
        bufs = (b0, b1, b2, b3)
        sems = (s0, s1, s2, s3)

        def outer(b, carry):
            off = pl.multiple_of(sid * SUBPT + b * IB, 8)

            @pl.when(cid == 0)
            def _():
                pltpu.sync_copy(srcA.at[pl.ds(off, IB)], src_v)
                pltpu.sync_copy(dstA.at[pl.ds(off, IB)], dst_v)

            @pl.when(cid == 1)
            def _():
                pltpu.sync_copy(srcB.at[pl.ds(off, IB)], src_v)
                pltpu.sync_copy(dstB.at[pl.ds(off, IB)], dst_v)
            for k in range(3):
                pltpu.async_copy(table.at[src_v.at[k]], bufs[k], sems[k])

            def group(g2, c2):
                for p in range(4):
                    j = g2 * 4 + p
                    pltpu.make_async_copy(table.at[src_v.at[j]],
                                          bufs[p], sems[p]).wait()
                    pltpu.sync_copy(bufs[p], acc.at[dst_v.at[j]], add=True)
                    q = (p + 3) % 4

                    @pl.when(j + 3 < IB)
                    def _():
                        pltpu.async_copy(table.at[src_v.at[j + 3]],
                                         bufs[q], sems[q])
                return c2

            lax.fori_loop(0, IB // 4, group, 0)
            return carry

        lax.fori_loop(0, NBI, outer, 0)
        plsc.subcore_barrier()
        pltpu.sync_copy(acc.at[pl.ds(sid * RPT, RPT)],
                        out.at[cid].at[pl.ds(sid * RPT, RPT)])

    return agg_kernel


def _make_pool():
    CH = RPT // 128

    @functools.partial(
        pl.kernel,
        out_type=(
            jax.ShapeDtypeStruct((2, GP, 128), F32),
            jax.ShapeDtypeStruct((2 * GP,), F32),
        ),
        mesh=_mesh(),
        scratch_types=[
            pltpu.VMEM((CH, 128), I32),
            pltpu.VMEM((128, 128), F32),
            pltpu.VMEM((128,), F32),
            pltpu.VMEM((GP,), F32),
            pltpu.VMEM_SHARED((GP, 128), F32),
            pltpu.VMEM_SHARED((GP,), F32),
        ],
    )
    def pool_kernel(h2s, batchI, zrows, zrow1d, ones_h,
                    pooled_out, cnt_out, batch_v, buf, ones_v, cbuf, pacc, cacc):
        cid = lax.axis_index("c")
        sid = lax.axis_index("s")
        pltpu.sync_copy(zrows.at[pl.ds(0, 8)], pacc.at[pl.ds(sid * 8, 8)])
        pltpu.sync_copy(zrow1d.at[pl.ds(0, GP)], cbuf)
        pltpu.sync_copy(batchI.at[sid], batch_v)
        pltpu.sync_copy(ones_h, ones_v)

        @pl.when(sid == 0)
        def _():
            pltpu.sync_copy(cbuf, cacc)

        plsc.subcore_barrier()

        def body(j, carry):
            row0 = cid * NP + sid * RPT + j * 128
            pltpu.sync_copy(h2s.at[pl.ds(row0, 128)], buf)
            pltpu.sync_copy(buf, pacc.at[batch_v.at[j]], add=True)
            pltpu.sync_copy(ones_v, cacc.at[batch_v.at[j]], add=True)
            return carry

        lax.fori_loop(0, CH, body, 0)
        plsc.subcore_barrier()
        pltpu.sync_copy(pacc.at[pl.ds(sid * 8, 8)],
                        pooled_out.at[cid].at[pl.ds(sid * 8, 8)])

        @pl.when(sid == 0)
        def _():
            pltpu.sync_copy(cacc, cbuf)
            pltpu.sync_copy(cbuf, cnt_out.at[pl.ds(cid * GP, GP)])

    return pool_kernel


_DEG = _make_deg()
_AGG1 = _make_agg(NCH // 32, 32)
_AGG2 = _make_agg(NCH // 16, 64)



_BM = 512
_NB = NP // _BM


def _prep_body(dega_ref, degb_ref, x_ref, dinv_ref, xs_ref):
    d = dega_ref[...] + degb_ref[...] + 1.0
    dinv = lax.rsqrt(d)
    i = pl.program_id(0)
    rows = lax.broadcasted_iota(I32, (_BM, 1), 0) + i * _BM
    dinv_ref[...] = dinv
    xs = jnp.where(rows < N, dinv * x_ref[...], 0.0)
    xs_ref[0] = xs
    xs_ref[1] = xs


def _prep_tc(dega, degb, x_pad):
    return pl.pallas_call(
        _prep_body,
        grid=(_NB,),
        in_specs=[
            pl.BlockSpec((_BM, 1), lambda i: (i, 0)),
            pl.BlockSpec((_BM, 1), lambda i: (i, 0)),
            pl.BlockSpec((_BM, 128), lambda i: (i, 0)),
        ],
        out_specs=[
            pl.BlockSpec((_BM, 1), lambda i: (i, 0)),
            pl.BlockSpec((2, _BM, 128), lambda i: (0, i, 0)),
        ],
        out_shape=[
            jax.ShapeDtypeStruct((NP, 1), F32),
            jax.ShapeDtypeStruct((2, NP, 128), F32),
        ],
    )(dega, degb, x_pad)


def _l1_body(a_ref, x_ref, dv_ref, w_ref, b_ref, xs2_ref):
    dv = dv_ref[...]
    agg = a_ref[0] + a_ref[1]
    M = dv * agg + (dv * dv) * x_ref[...]
    h = jnp.dot(M, w_ref[...], preferred_element_type=F32) + b_ref[...]
    h = jnp.maximum(h, 0.0)
    i = pl.program_id(0)
    rows = lax.broadcasted_iota(I32, (_BM, 1), 0) + i * _BM
    xs2 = jnp.where(rows < N, dv * h, 0.0)
    xs2_ref[0] = xs2[:, :128]
    xs2_ref[1] = xs2[:, 128:]


def _l1_tc(agg1, x_pad, dinv, W1, b1):
    return pl.pallas_call(
        _l1_body,
        grid=(_NB,),
        in_specs=[
            pl.BlockSpec((2, _BM, 128), lambda i: (0, i, 0)),
            pl.BlockSpec((_BM, 128), lambda i: (i, 0)),
            pl.BlockSpec((_BM, 1), lambda i: (i, 0)),
            pl.BlockSpec((128, 256), lambda i: (0, 0)),
            pl.BlockSpec((1, 256), lambda i: (0, 0)),
        ],
        out_specs=pl.BlockSpec((2, _BM, 128), lambda i: (0, i, 0)),
        out_shape=jax.ShapeDtypeStruct((2, NP, 128), F32),
    )(agg1, x_pad, dinv, W1, b1)


def _l2_body(a_ref, xs_ref, dv_ref, wa_ref, wb_ref, b_ref, h2s_ref):
    dv = dv_ref[...]
    Ma = dv * (a_ref[0] + xs_ref[0])
    Mb = dv * (a_ref[1] + xs_ref[1])
    h = (jnp.dot(Ma, wa_ref[...], preferred_element_type=F32)
         + jnp.dot(Mb, wb_ref[...], preferred_element_type=F32)
         + b_ref[...])
    h = jnp.maximum(h, 0.0)
    h2s_ref[0] = h[:, :128]
    h2s_ref[1] = h[:, 128:]


def _l2_tc(agg2, xs2s, dinv, W2a, W2b, b2):
    return pl.pallas_call(
        _l2_body,
        grid=(_NB,),
        in_specs=[
            pl.BlockSpec((2, _BM, 128), lambda i: (0, i, 0)),
            pl.BlockSpec((2, _BM, 128), lambda i: (0, i, 0)),
            pl.BlockSpec((_BM, 1), lambda i: (i, 0)),
            pl.BlockSpec((128, 256), lambda i: (0, 0)),
            pl.BlockSpec((128, 256), lambda i: (0, 0)),
            pl.BlockSpec((1, 256), lambda i: (0, 0)),
        ],
        out_specs=pl.BlockSpec((2, _BM, 128), lambda i: (0, i, 0)),
        out_shape=jax.ShapeDtypeStruct((2, NP, 128), F32),
    )(agg2, xs2s, dinv, W2a, W2b, b2)


def _ph_body(h2a_ref, h2b_ref, bt_ref, wma_ref, wmb_ref, bm_ref,
             wla_ref, wlb_ref, bl_ref, mu_ref, lv_ref,
             pa_acc, pb_acc, cnt_acc):
    i = pl.program_id(0)

    @pl.when(i == 0)
    def _():
        pa_acc[...] = jnp.zeros_like(pa_acc)
        pb_acc[...] = jnp.zeros_like(pb_acc)
        cnt_acc[...] = jnp.zeros_like(cnt_acc)

    bt = bt_ref[0]
    mask = (bt == lax.broadcasted_iota(I32, (G, _BM), 0)).astype(F32)
    pa_acc[...] += jnp.dot(mask, h2a_ref[...], preferred_element_type=F32)
    pb_acc[...] += jnp.dot(mask, h2b_ref[...], preferred_element_type=F32)
    cnt_acc[...] += jnp.sum(mask, axis=1, keepdims=True)

    @pl.when(i == _NB - 1)
    def _():
        inv = 1.0 / jnp.maximum(cnt_acc[...], 1.0)
        a = pa_acc[...] * inv
        b = pb_acc[...] * inv
        mu_ref[...] = (jnp.dot(a, wma_ref[...], preferred_element_type=F32)
                       + jnp.dot(b, wmb_ref[...], preferred_element_type=F32)
                       + bm_ref[...])
        lv_ref[...] = (jnp.dot(a, wla_ref[...], preferred_element_type=F32)
                       + jnp.dot(b, wlb_ref[...], preferred_element_type=F32)
                       + bl_ref[...])


def _poolhead_tc(h2a, h2b, batch2d, Wmu_a, Wmu_b, bmu, Wlv_a, Wlv_b, blv):
    return pl.pallas_call(
        _ph_body,
        grid=(_NB,),
        in_specs=[
            pl.BlockSpec((_BM, 128), lambda i: (i, 0)),
            pl.BlockSpec((_BM, 128), lambda i: (i, 0)),
            pl.BlockSpec((1, 1, _BM), lambda i: (i, 0, 0)),
            pl.BlockSpec((128, 128), lambda i: (0, 0)),
            pl.BlockSpec((128, 128), lambda i: (0, 0)),
            pl.BlockSpec((1, 128), lambda i: (0, 0)),
            pl.BlockSpec((128, 128), lambda i: (0, 0)),
            pl.BlockSpec((128, 128), lambda i: (0, 0)),
            pl.BlockSpec((1, 128), lambda i: (0, 0)),
        ],
        out_specs=[
            pl.BlockSpec((G, 128), lambda i: (0, 0)),
            pl.BlockSpec((G, 128), lambda i: (0, 0)),
        ],
        out_shape=[
            jax.ShapeDtypeStruct((G, 128), F32),
            jax.ShapeDtypeStruct((G, 128), F32),
        ],
        scratch_shapes=[
            pltpu.VMEM((G, 128), F32),
            pltpu.VMEM((G, 128), F32),
            pltpu.VMEM((G, 1), F32),
        ],
    )(h2a, h2b, batch2d, Wmu_a, Wmu_b, bmu, Wlv_a, Wlv_b, blv)



def kernel(x, edge_index, batch, W1, b1, W2, b2, Wmu, bmu, Wlv, blv):
    src = edge_index[0]
    dst = edge_index[1]
    pad_e = EP - E
    pad_idx = N + jnp.arange(pad_e, dtype=I32) % (NP - N)
    srcp = jnp.concatenate([src, pad_idx])
    dstp = jnp.concatenate([dst, pad_idx])
    srcC = srcp.reshape(NCH, 128)
    dstC = dstp.reshape(NCH, 128)
    srcCpN = srcp + NP
    degI = dstC.reshape(2, NCH // 2, 128)
    half = EP // 2
    srcA1 = srcp[:half].reshape(NCH, 64)
    srcB1 = srcCpN[half:].reshape(NCH, 64)
    dstA1 = dstp[:half].reshape(NCH, 64)
    dstB1 = dstp[half:].reshape(NCH, 64)
    srcA2 = srcp.reshape(2 * NCH, 64)
    srcB2 = srcCpN.reshape(2 * NCH, 64)
    dstA2 = dstp.reshape(2 * NCH, 64)

    x_pad = jnp.pad(x, ((0, NP - N), (0, 0)))
    batch2d = jnp.concatenate([batch, jnp.full((NP - N,), G, I32)]).reshape(
        _NB, 1, _BM)

    zrows = jnp.zeros((RPT, 128), F32)
    zrow1d = jnp.zeros((RPT,), F32)
    ones1d = jnp.ones((128,), F32)

    deg = _DEG(degI, zrow1d, ones1d)
    dega = deg[:NP].reshape(NP, 1)
    degb = deg[NP:].reshape(NP, 1)
    dinv, xs1d = _prep_tc(dega, degb, x_pad)
    agg1 = _AGG1(xs1d.reshape(2 * NP, 128), srcA1, srcB1, dstA1, dstB1,
                 zrows)
    xs2s = _l1_tc(agg1, x_pad, dinv, W1, b1.reshape(1, 256))
    agg2 = _AGG2(xs2s.reshape(2 * NP, 128), srcA2, srcB2, dstA2, dstA2,
                 zrows)
    h2s = _l2_tc(agg2, xs2s, dinv, W2[:128], W2[128:], b2.reshape(1, 256))
    mu, lv = _poolhead_tc(h2s[0], h2s[1], batch2d,
                          Wmu[:128], Wmu[128:], bmu.reshape(1, 128),
                          Wlv[:128], Wlv[128:], blv.reshape(1, 128))
    return (mu, lv)

# --- scband reference (transcript-rebuilt; emitter-appended) ---
"""Pipeline reference for scband-graph-encoder-3358664425541 (READ-ONLY COPY).

The authoritative reference and input builder live on the scoring server;
editing this copy changes nothing except your own understanding.
"""

import jax, jax.numpy as jnp
import numpy as np

N_NODES = 10000
N_EDGES = 320000
IN_DIM = 128
HIDDEN_DIM = 256
LATENT_DIM = 128
N_GRAPHS = 64


def setup_inputs(seed: int = 0) -> dict:
    key = jax.random.key(seed)
    ks = jax.random.split(key, 12)
    x = jax.random.normal(ks[0], (N_NODES, IN_DIM), dtype=jnp.float32)
    edge_index = jax.random.randint(ks[1], (2, N_EDGES), 0, N_NODES, dtype=jnp.int32)
    batch = jnp.sort(jax.random.randint(ks[2], (N_NODES,), 0, N_GRAPHS, dtype=jnp.int32))
    # GCNConv 1 params
    W1 = jax.random.normal(ks[3], (IN_DIM, HIDDEN_DIM), dtype=jnp.float32) * (1.0 / np.sqrt(IN_DIM))
    b1 = jnp.zeros((HIDDEN_DIM,), dtype=jnp.float32)
    # GCNConv 2 params
    W2 = jax.random.normal(ks[4], (HIDDEN_DIM, HIDDEN_DIM), dtype=jnp.float32) * (1.0 / np.sqrt(HIDDEN_DIM))
    b2 = jnp.zeros((HIDDEN_DIM,), dtype=jnp.float32)
    # mu / logvar projections
    Wmu = jax.random.normal(ks[5], (HIDDEN_DIM, LATENT_DIM), dtype=jnp.float32) * (1.0 / np.sqrt(HIDDEN_DIM))
    bmu = jnp.zeros((LATENT_DIM,), dtype=jnp.float32)
    Wlv = jax.random.normal(ks[6], (HIDDEN_DIM, LATENT_DIM), dtype=jnp.float32) * (1.0 / np.sqrt(HIDDEN_DIM))
    blv = jnp.zeros((LATENT_DIM,), dtype=jnp.float32)
    return {"x": x, "edge_index": edge_index, "batch": batch,
            "W1": W1, "b1": b1, "W2": W2, "b2": b2,
            "Wmu": Wmu, "bmu": bmu, "Wlv": Wlv, "blv": blv}


def _gcn_conv(x, edge_index, W, b):
    # PyG-style GCNConv: add self-loops, symmetric normalization, then scatter-add
    n = x.shape[0]
    loops = jnp.arange(n, dtype=edge_index.dtype)
    src = jnp.concatenate([edge_index[0], loops])
    dst = jnp.concatenate([edge_index[1], loops])
    xw = x @ W
    deg = jnp.zeros((n,), dtype=x.dtype).at[dst].add(1.0)
    dinv = jnp.where(deg > 0, jax.lax.rsqrt(deg), 0.0)
    norm = dinv[src] * dinv[dst]
    msg = jnp.take(xw, src, axis=0) * norm[:, None]
    out = jax.ops.segment_sum(msg, dst, num_segments=n)
    return out + b


def _global_mean_pool(x, batch, num_graphs):
    sums = jax.ops.segment_sum(x, batch, num_segments=num_graphs)
    counts = jax.ops.segment_sum(jnp.ones((x.shape[0],), dtype=x.dtype), batch, num_segments=num_graphs)
    return sums / jnp.maximum(counts, 1.0)[:, None]


def reference(x, edge_index, batch, W1, b1, W2, b2, Wmu, bmu, Wlv, blv):
    h = jax.nn.relu(_gcn_conv(x, edge_index, W1, b1))
    h = jax.nn.relu(_gcn_conv(h, edge_index, W2, b2))
    pooled = _global_mean_pool(h, batch, N_GRAPHS)
    mu = pooled @ Wmu + bmu
    logvar = pooled @ Wlv + blv
    return (mu, logvar)

if __name__ == "__main__":
    import jax
    _d = setup_inputs()
    print(jax.jit(kernel)(*tuple(_d.values())))

</pallas_src>

<mosaic_0001>
#map = affine_map<(d0, d1) -> (0, 0, 0)>
#map1 = affine_map<(d0, d1) -> (0)>
module attributes {stable_mosaic.version = 14 : i64} {
  func.func @deg_kernel(%arg0: i32, %arg1: i32, %arg2: memref<2x1280x128xi32, #tpu.memory_space<hbm>>, %arg3: memref<640xf32, #tpu.memory_space<hbm>>, %arg4: memref<128xf32, #tpu.memory_space<hbm>>, %arg5: memref<20480xf32, #tpu.memory_space<hbm>>, %arg6: memref<80x128xi32, #tpu.memory_space<vmem>>, %arg7: memref<128xf32, #tpu.memory_space<vmem>>, %arg8: memref<640xf32, #tpu.memory_space<vmem>>, %arg9: memref<10240xf32, #tpu.memory_space<vmem_shared>>) attributes {dimension_semantics = [#tpu.dimension_semantics<core_parallel>, #tpu.dimension_semantics<subcore_parallel>], iteration_bounds = array<i64: 2, 16>, scalar_prefetch = 0 : i64, scratch_operands = 4 : i64, tpu.core_type = #tpu.core_type<sc_vector_subcore>, window_params = [{transform_indices = #map}, {transform_indices = #map1}, {transform_indices = #map1}, {transform_indices = #map1}]} {
    "tpu.region"() ({
      %run_scoped3A = tpu.sem_alloc : memref<!tpu.dma_semaphore, #tpu.memory_space<semaphore_mem>>
      tpu.enqueue_dma source(%arg3 : memref<640xf32, #tpu.memory_space<hbm>>) target(%arg8 : memref<640xf32, #tpu.memory_space<vmem>>) target_semaphore(%run_scoped3A : memref<!tpu.dma_semaphore, #tpu.memory_space<semaphore_mem>>)
      tpu.wait_dma2 semaphore(%run_scoped3A : memref<!tpu.dma_semaphore, #tpu.memory_space<semaphore_mem>>) src(%arg3 : memref<640xf32, #tpu.memory_space<hbm>>) dst(%arg8 : memref<640xf32, #tpu.memory_space<vmem>>)
      tpu.yield
    }) : () -> ()
    %mul3A = arith.constant 640 : i32
    %mul3A_0 = arith.muli %arg1, %mul3A : i32
    "tpu.region"() ({
      %run_scoped3A = tpu.sem_alloc : memref<!tpu.dma_semaphore, #tpu.memory_space<semaphore_mem>>
      %dma_start3A = tpu.memref_slice %arg9[%mul3A_0] : memref<10240xf32, #tpu.memory_space<vmem_shared>> -> memref<640xf32, #tpu.memory_space<vmem_shared>>
      %dma_start3A_15 = tpu.memref_slice %arg9[%mul3A_0] : memref<10240xf32, #tpu.memory_space<vmem_shared>> -> memref<640xf32, #tpu.memory_space<vmem_shared>>
      tpu.enqueue_dma source(%arg8 : memref<640xf32, #tpu.memory_space<vmem>>) target(%dma_start3A_15 : memref<640xf32, #tpu.memory_space<vmem_shared>>) target_semaphore(%run_scoped3A : memref<!tpu.dma_semaphore, #tpu.memory_space<semaphore_mem>>)
      %dma_wait3A = tpu.memref_slice %arg9[%mul3A_0] : memref<10240xf32, #tpu.memory_space<vmem_shared>> -> memref<640xf32, #tpu.memory_space<vmem_shared>>
      %dma_wait3A_16 = tpu.memref_slice %arg9[%mul3A_0] : memref<10240xf32, #tpu.memory_space<vmem_shared>> -> memref<640xf32, #tpu.memory_space<vmem_shared>>
      tpu.wait_dma2 semaphore(%run_scoped3A : memref<!tpu.dma_semaphore, #tpu.memory_space<semaphore_mem>>) src(%arg8 : memref<640xf32, #tpu.memory_space<vmem>>) dst(%dma_wait3A_16 : memref<640xf32, #tpu.memory_space<vmem_shared>>)
      tpu.yield
    }) : () -> ()
    %mul3A_1 = arith.constant 80 : i32
    %mul3A_2 = arith.muli %arg1, %mul3A_1 : i32
    "tpu.region"() ({
      %run_scoped3A = tpu.sem_alloc : memref<!tpu.dma_semaphore, #tpu.memory_space<semaphore_mem>>
      %dma_start3A = arith.constant 0 : i32
      %dma_start3A_15 = arith.constant 0 : i32
      %dma_start3A_16 = tpu.memref_slice %arg2[%arg0, %dma_start3A, %dma_start3A_15] : memref<2x1280x128xi32, #tpu.memory_space<hbm>> -> memref<1x1280x128xi32, #tpu.memory_space<hbm>>
      %dma_start3A_17 = tpu.memref_squeeze %dma_start3A_16 : memref<1x1280x128xi32, #tpu.memory_space<hbm>> -> memref<1280x128xi32, #tpu.memory_space<hbm>>
      %dma_start3A_18 = arith.constant 0 : i32
      %dma_start3A_19 = tpu.memref_slice %dma_start3A_17[%mul3A_2, %dma_start3A_18] : memref<1280x128xi32, #tpu.memory_space<hbm>> -> memref<80x128xi32, #tpu.memory_space<hbm>>
      %dma_start3A_20 = arith.constant 0 : i32
      %dma_start3A_21 = arith.constant 0 : i32
      %dma_start3A_22 = tpu.memref_slice %arg2[%arg0, %dma_start3A_20, %dma_start3A_21] : memref<2x1280x128xi32, #tpu.memory_space<hbm>> -> memref<1x1280x128xi32, #tpu.memory_space<hbm>>
      %dma_start3A_23 = tpu.memref_squeeze %dma_start3A_22 : memref<1x1280x128xi32, #tpu.memory_space<hbm>> -> memref<1280x128xi32, #tpu.memory_space<hbm>>
      %dma_start3A_24 = arith.constant 0 : i32
      %dma_start3A_25 = tpu.memref_slice %dma_start3A_23[%mul3A_2, %dma_start3A_24] : memref<1280x128xi32, #tpu.memory_space<hbm>> -> memref<80x128xi32, #tpu.memory_space<hbm>>
      tpu.enqueue_dma source(%dma_start3A_25 : memref<80x128xi32, #tpu.memory_space<hbm>>) target(%arg6 : memref<80x128xi32, #tpu.memory_space<vmem>>) target_semaphore(%run_scoped3A : memref<!tpu.dma_semaphore, #tpu.memory_space<semaphore_mem>>)
      %dma_wait3A = arith.constant 0 : i32
      %dma_wait3A_26 = arith.constant 0 : i32
      %dma_wait3A_27 = tpu.memref_slice %arg2[%arg0, %dma_wait3A, %dma_wait3A_26] : memref<2x1280x128xi32, #tpu.memory_space<hbm>> -> memref<1x1280x128xi32, #tpu.memory_space<hbm>>
      %dma_wait3A_28 = tpu.memref_squeeze %dma_wait3A_27 : memref<1x1280x128xi32, #tpu.memory_space<hbm>> -> memref<1280x128xi32, #tpu.memory_space<hbm>>
      %dma_wait3A_29 = arith.constant 0 : i32
      %dma_wait3A_30 = tpu.memref_slice %dma_wait3A_28[%mul3A_2, %dma_wait3A_29] : memref<1280x128xi32, #tpu.memory_space<hbm>> -> memref<80x128xi32, #tpu.memory_space<hbm>>
      %dma_wait3A_31 = arith.constant 0 : i32
      %dma_wait3A_32 = arith.constant 0 : i32
      %dma_wait3A_33 = tpu.memref_slice %arg2[%arg0, %dma_wait3A_31, %dma_wait3A_32] : memref<2x1280x128xi32, #tpu.memory_space<hbm>> -> memref<1x1280x128xi32, #tpu.memory_space<hbm>>
      %dma_wait3A_34 = tpu.memref_squeeze %dma_wait3A_33 : memref<1x1280x128xi32, #tpu.memory_space<hbm>> -> memref<1280x128xi32, #tpu.memory_space<hbm>>
      %dma_wait3A_35 = arith.constant 0 : i32
      %dma_wait3A_36 = tpu.memref_slice %dma_wait3A_34[%mul3A_2, %dma_wait3A_35] : memref<1280x128xi32, #tpu.memory_space<hbm>> -> memref<80x128xi32, #tpu.memory_space<hbm>>
      tpu.wait_dma2 semaphore(%run_scoped3A : memref<!tpu.dma_semaphore, #tpu.memory_space<semaphore_mem>>) src(%dma_wait3A_36 : memref<80x128xi32, #tpu.memory_space<hbm>>) dst(%arg6 : memref<80x128xi32, #tpu.memory_space<vmem>>)
      tpu.yield
    }) : () -> ()
    "tpu.region"() ({
      %run_scoped3A = tpu.sem_alloc : memref<!tpu.dma_semaphore, #tpu.memory_space<semaphore_mem>>
      tpu.enqueue_dma source(%arg4 : memref<128xf32, #tpu.memory_space<hbm>>) target(%arg7 : memref<128xf32, #tpu.memory_space<vmem>>) target_semaphore(%run_scoped3A : memref<!tpu.dma_semaphore, #tpu.memory_space<semaphore_mem>>)
      tpu.wait_dma2 semaphore(%run_scoped3A : memref<!tpu.dma_semaphore, #tpu.memory_space<semaphore_mem>>) src(%arg4 : memref<128xf32, #tpu.memory_space<hbm>>) dst(%arg7 : memref<128xf32, #tpu.memory_space<vmem>>)
      tpu.yield
    }) : () -> ()
    %barrier3A = arith.constant 0 : index
    tpu.barrier barrier_id(%barrier3A)
    %scan3A = arith.constant 0 : i32
    %scan3A_3 = arith.constant 0 : i32
    %scan3A_4 = arith.constant 80 : i32
    %scan3A_5 = arith.addi %scan3A_3, %scan3A_4 : i32
    %scan3A_6 = arith.constant 1 : i32
    scf.for %scan3A_15 = %scan3A_3 to %scan3A_5 step %scan3A_6  : i32 {
      "tpu.region"() ({
        %run_scoped3A = tpu.sem_alloc : memref<!tpu.dma_semaphore, #tpu.memory_space<semaphore_mem>>
        %dma_start3A = arith.constant 0 : i32
        %dma_start3A_16 = tpu.memref_slice %arg6[%scan3A_15, %dma_start3A] : memref<80x128xi32, #tpu.memory_space<vmem>> -> memref<1x128xi32, #tpu.memory_space<vmem>>
        %dma_start3A_17 = tpu.memref_squeeze %dma_start3A_16 : memref<1x128xi32, #tpu.memory_space<vmem>> -> memref<128xi32, #tpu.memory_space<vmem>>
        %dma_start3A_18 = arith.constant 0 : i32
        %dma_start3A_19 = tpu.memref_slice %arg9[%dma_start3A_18] : memref<10240xf32, #tpu.memory_space<vmem_shared>> -> memref<10240xf32, #tpu.memory_space<vmem_shared>>
        tpu.enqueue_indirect_dma source(%arg7 : memref<128xf32, #tpu.memory_space<vmem>>) target(%dma_start3A_19 : memref<10240xf32, #tpu.memory_space<vmem_shared>>) offsets(%dma_start3A_17 : memref<128xi32, #tpu.memory_space<vmem>>) semaphore(%run_scoped3A : memref<!tpu.dma_semaphore, #tpu.memory_space<semaphore_mem>>) {add = true}
        %dma_wait3A = arith.constant 0 : i32
        %dma_wait3A_20 = tpu.memref_slice %arg6[%scan3A_15, %dma_wait3A] : memref<80x128xi32, #tpu.memory_space<vmem>> -> memref<1x128xi32, #tpu.memory_space<vmem>>
        %dma_wait3A_21 = tpu.memref_squeeze %dma_wait3A_20 : memref<1x128xi32, #tpu.memory_space<vmem>> -> memref<128xi32, #tpu.memory_space<vmem>>
        %dma_wait3A_22 = arith.constant 0 : i32
        %dma_wait3A_23 = tpu.memref_slice %arg9[%dma_wait3A_22] : memref<10240xf32, #tpu.memory_space<vmem_shared>> -> memref<10240xf32, #tpu.memory_space<vmem_shared>>
        tpu.wait_indirect_dma semaphore(%run_scoped3A : memref<!tpu.dma_semaphore, #tpu.memory_space<semaphore_mem>>) src(%arg7 : memref<128xf32, #tpu.memory_space<vmem>>) dst(%dma_wait3A_23 : memref<10240xf32, #tpu.memory_space<vmem_shared>>)
        tpu.yield
      }) : () -> ()
    }
    %scan3A_7 = arith.constant 80 : i32
    %barrier3A_8 = arith.constant 0 : index
    tpu.barrier barrier_id(%barrier3A_8)
    %mul3A_9 = arith.constant 10240 : i32
    %mul3A_10 = arith.muli %arg0, %mul3A_9 : i32
    %mul3A_11 = arith.constant 640 : i32
    %mul3A_12 = arith.muli %arg1, %mul3A_11 : i32
    %add3A = arith.addi %mul3A_10, %mul3A_12 : i32
    %multiple_of3A = tpu.assume_multiple %add3A, 8 : i32
    %mul3A_13 = arith.constant 640 : i32
    %mul3A_14 = arith.muli %arg1, %mul3A_13 : i32
    "tpu.region"() ({
      %run_scoped3A = tpu.sem_alloc : memref<!tpu.dma_semaphore, #tpu.memory_space<semaphore_mem>>
      %dma_start3A = tpu.memref_slice %arg9[%mul3A_14] : memref<10240xf32, #tpu.memory_space<vmem_shared>> -> memref<640xf32, #tpu.memory_space<vmem_shared>>
      %dma_start3A_15 = tpu.memref_slice %arg9[%mul3A_14] : memref<10240xf32, #tpu.memory_space<vmem_shared>> -> memref<640xf32, #tpu.memory_space<vmem_shared>>
      tpu.enqueue_dma source(%dma_start3A_15 : memref<640xf32, #tpu.memory_space<vmem_shared>>) target(%arg8 : memref<640xf32, #tpu.memory_space<vmem>>) target_semaphore(%run_scoped3A : memref<!tpu.dma_semaphore, #tpu.memory_space<semaphore_mem>>)
      %dma_wait3A = tpu.memref_slice %arg9[%mul3A_14] : memref<10240xf32, #tpu.memory_space<vmem_shared>> -> memref<640xf32, #tpu.memory_space<vmem_shared>>
      %dma_wait3A_16 = tpu.memref_slice %arg9[%mul3A_14] : memref<10240xf32, #tpu.memory_space<vmem_shared>> -> memref<640xf32, #tpu.memory_space<vmem_shared>>
      tpu.wait_dma2 semaphore(%run_scoped3A : memref<!tpu.dma_semaphore, #tpu.memory_space<semaphore_mem>>) src(%dma_wait3A_16 : memref<640xf32, #tpu.memory_space<vmem_shared>>) dst(%arg8 : memref<640xf32, #tpu.memory_space<vmem>>)
      tpu.yield
    }) : () -> ()
    "tpu.region"() ({
      %run_scoped3A = tpu.sem_alloc : memref<!tpu.dma_semaphore, #tpu.memory_space<semaphore_mem>>
      %dma_start3A = tpu.memref_slice %arg5[%multiple_of3A] : memref<20480xf32, #tpu.memory_space<hbm>> -> memref<640xf32, #tpu.memory_space<hbm>>
      %dma_start3A_15 = tpu.memref_slice %arg5[%multiple_of3A] : memref<20480xf32, #tpu.memory_space<hbm>> -> memref<640xf32, #tpu.memory_space<hbm>>
      tpu.enqueue_dma source(%arg8 : memref<640xf32, #tpu.memory_space<vmem>>) target(%dma_start3A_15 : memref<640xf32, #tpu.memory_space<hbm>>) target_semaphore(%run_scoped3A : memref<!tpu.dma_semaphore, #tpu.memory_space<semaphore_mem>>)
      %dma_wait3A = tpu.memref_slice %arg5[%multiple_of3A] : memref<20480xf32, #tpu.memory_space<hbm>> -> memref<640xf32, #tpu.memory_space<hbm>>
      %dma_wait3A_16 = tpu.memref_slice %arg5[%multiple_of3A] : memref<20480xf32, #tpu.memory_space<hbm>> -> memref<640xf32, #tpu.memory_space<hbm>>
      tpu.wait_dma2 semaphore(%run_scoped3A : memref<!tpu.dma_semaphore, #tpu.memory_space<semaphore_mem>>) src(%arg8 : memref<640xf32, #tpu.memory_space<vmem>>) dst(%dma_wait3A_16 : memref<640xf32, #tpu.memory_space<hbm>>)
      tpu.yield
    }) : () -> ()
    return
  }
}

#map = affine_map<(d0, d1) -> (0, 0)>
#map1 = affine_map<(d0, d1) -> (0, 0, 0)>
module attributes {stable_mosaic.version = 14 : i64} {
  func.func @agg_kernel(%arg0: i32, %arg1: i32, %arg2: memref<20480x128xf32, #tpu.memory_space<hbm>>, %arg3: memref<5120x64xi32, #tpu.memory_space<hbm>>, %arg4: memref<5120x64xi32, #tpu.memory_space<hbm>>, %arg5: memref<5120x64xi32, #tpu.memory_space<hbm>>, %arg6: memref<5120x64xi32, #tpu.memory_space<hbm>>, %arg7: memref<640x128xf32, #tpu.memory_space<hbm>>, %arg8: memref<2x10240x128xf32, #tpu.memory_space<hbm>>, %arg9: memref<64x64xi32, #tpu.memory_space<vmem>>, %arg10: memref<64x64xi32, #tpu.memory_space<vmem>>, %arg11: memref<64x128xf32, #tpu.memory_space<vmem>>, %arg12: memref<64x128xf32, #tpu.memory_space<vmem>>, %arg13: memref<64x128xf32, #tpu.memory_space<vmem>>, %arg14: memref<64x128xf32, #tpu.memory_space<vmem>>, %arg15: memref<!tpu.dma_semaphore, #tpu.memory_space<semaphore_mem>>, %arg16: memref<!tpu.dma_semaphore, #tpu.memory_space<semaphore_mem>>, %arg17: memref<!tpu.dma_semaphore, #tpu.memory_space<semaphore_mem>>, %arg18: memref<!tpu.dma_semaphore, #tpu.memory_space<semaphore_mem>>, %arg19: memref<10240x128xf32, #tpu.memory_space<vmem_shared>>) attributes {dimension_semantics = [#tpu.dimension_semantics<core_parallel>, #tpu.dimension_semantics<subcore_parallel>], iteration_bounds = array<i64: 2, 16>, scalar_prefetch = 0 : i64, scratch_operands = 11 : i64, tpu.core_type = #tpu.core_type<sc_vector_subcore>, window_params = [{transform_indices = #map}, {transform_indices = #map}, {transform_indices = #map}, {transform_indices = #map}, {transform_indices = #map}, {transform_indices = #map}, {transform_indices = #map1}]} {
    %mul3A = arith.constant 640 : i32
    %mul3A_0 = arith.muli %arg1, %mul3A : i32
    "tpu.region"() ({
      %run_scoped3A = tpu.sem_alloc : memref<!tpu.dma_semaphore, #tpu.memory_space<semaphore_mem>>
      %dma_start3A = arith.constant 0 : i32
      %dma_start3A_11 = tpu.memref_slice %arg19[%mul3A_0, %dma_start3A] : memref<10240x128xf32, #tpu.memory_space<vmem_shared>> -> memref<640x128xf32, #tpu.memory_space<vmem_shared>>
      tpu.enqueue_dma source(%arg7 : memref<640x128xf32, #tpu.memory_space<hbm>>) target(%dma_start3A_11 : memref<640x128xf32, #tpu.memory_space<vmem_shared>>) target_semaphore(%run_scoped3A : memref<!tpu.dma_semaphore, #tpu.memory_space<semaphore_mem>>)
      %dma_wait3A = arith.constant 0 : i32
      %dma_wait3A_12 = tpu.memref_slice %arg19[%mul3A_0, %dma_wait3A] : memref<10240x128xf32, #tpu.memory_space<vmem_shared>> -> memref<640x128xf32, #tpu.memory_space<vmem_shared>>
      tpu.wait_dma2 semaphore(%run_scoped3A : memref<!tpu.dma_semaphore, #tpu.memory_space<semaphore_mem>>) src(%arg7 : memref<640x128xf32, #tpu.memory_space<hbm>>) dst(%dma_wait3A_12 : memref<640x128xf32, #tpu.memory_space<vmem_shared>>)
      tpu.yield
    }) : () -> ()
    %barrier3A = arith.constant 0 : index
    tpu.barrier barrier_id(%barrier3A)
    %scan3A = arith.constant 0 : i32
    %scan3A_1 = arith.constant 0 : i32
    %scan3A_2 = arith.constant 5 : i32
    %scan3A_3 = arith.addi %scan3A_1, %scan3A_2 : i32
    %scan3A_4 = arith.constant 1 : i32
    scf.for %scan3A_11 = %scan3A_1 to %scan3A_3 step %scan3A_4  : i32 {
      %mul3A_12 = arith.constant 320 : i32
      %mul3A_13 = arith.muli %arg1, %mul3A_12 : i32
      %mul3A_14 = arith.constant 64 : i32
      %mul3A_15 = arith.muli %scan3A_11, %mul3A_14 : i32
      %add3A = arith.addi %mul3A_13, %mul3A_15 : i32
      %multiple_of3A = tpu.assume_multiple %add3A, 8 : i32
      %eq3A = arith.constant 0 : i32
      %eq3A_16 = arith.cmpi eq, %arg0, %eq3A : i32
      %convert_element_type3A = arith.extui %eq3A_16 : i1 to i32
      %cond3A = arith.constant 0 : i32
      %cond3A_17 = arith.cmpi ne, %convert_element_type3A, %cond3A : i32
      scf.if %cond3A_17 {
        "tpu.region"() ({
          %run_scoped3A = tpu.sem_alloc : memref<!tpu.dma_semaphore, #tpu.memory_space<semaphore_mem>>
          %dma_start3A_49 = arith.constant 0 : i32
          %dma_start3A_50 = tpu.memref_slice %arg3[%multiple_of3A, %dma_start3A_49] : memref<5120x64xi32, #tpu.memory_space<hbm>> -> memref<64x64xi32, #tpu.memory_space<hbm>>
          %dma_start3A_51 = arith.constant 0 : i32
          %dma_start3A_52 = tpu.memref_slice %arg3[%multiple_of3A, %dma_start3A_51] : memref<5120x64xi32, #tpu.memory_space<hbm>> -> memref<64x64xi32, #tpu.memory_space<hbm>>
          tpu.enqueue_dma source(%dma_start3A_52 : memref<64x64xi32, #tpu.memory_space<hbm>>) target(%arg9 : memref<64x64xi32, #tpu.memory_space<vmem>>) target_semaphore(%run_scoped3A : memref<!tpu.dma_semaphore, #tpu.memory_space<semaphore_mem>>)
          %dma_wait3A = arith.constant 0 : i32
          %dma_wait3A_53 = tpu.memref_slice %arg3[%multiple_of3A, %dma_wait3A] : memref<5120x64xi32, #tpu.memory_space<hbm>> -> memref<64x64xi32, #tpu.memory_space<hbm>>
          %dma_wait3A_54 = arith.constant 0 : i32
          %dma_wait3A_55 = tpu.memref_slice %arg3[%multiple_of3A, %dma_wait3A_54] : memref<5120x64xi32, #tpu.memory_space<hbm>> -> memref<64x64xi32, #tpu.memory_space<hbm>>
          tpu.wait_dma2 semaphore(%run_scoped3A : memref<!tpu.dma_semaphore, #tpu.memory_space<semaphore_mem>>) src(%dma_wait3A_55 : memref<64x64xi32, #tpu.memory_space<hbm>>) dst(%arg9 : memref<64x64xi32, #tpu.memory_space<vmem>>)
          tpu.yield
        }) : () -> ()
        "tpu.region"() ({
          %run_scoped3A = tpu.sem_alloc : memref<!tpu.dma_semaphore, #tpu.memory_space<semaphore_mem>>
          %dma_start3A_49 = arith.constant 0 : i32
          %dma_start3A_50 = tpu.memref_slice %arg5[%multiple_of3A, %dma_start3A_49] : memref<5120x64xi32, #tpu.memory_space<hbm>> -> memref<64x64xi32, #tpu.memory_space<hbm>>
          %dma_start3A_51 = arith.constant 0 : i32
          %dma_start3A_52 = tpu.memref_slice %arg5[%multiple_of3A, %dma_start3A_51] : memref<5120x64xi32, #tpu.memory_space<hbm>> -> memref<64x64xi32, #tpu.memory_space<hbm>>
          tpu.enqueue_dma source(%dma_start3A_52 : memref<64x64xi32, #tpu.memory_space<hbm>>) target(%arg10 : memref<64x64xi32, #tpu.memory_space<vmem>>) target_semaphore(%run_scoped3A : memref<!tpu.dma_semaphore, #tpu.memory_space<semaphore_mem>>)
          %dma_wait3A = arith.constant 0 : i32
          %dma_wait3A_53 = tpu.memref_slice %arg5[%multiple_of3A, %dma_wait3A] : memref<5120x64xi32, #tpu.memory_space<hbm>> -> memref<64x64xi32, #tpu.memory_space<hbm>>
          %dma_wait3A_54 = arith.constant 0 : i32
          %dma_wait3A_55 = tpu.memref_slice %arg5[%multiple_of3A, %dma_wait3A_54] : memref<5120x64xi32, #tpu.memory_space<hbm>> -> memref<64x64xi32, #tpu.memory_space<hbm>>
          tpu.wait_dma2 semaphore(%run_scoped3A : memref<!tpu.dma_semaphore, #tpu.memory_space<semaphore_mem>>) src(%dma_wait3A_55 : memref<64x64xi32, #tpu.memory_space<hbm>>) dst(%arg10 : memref<64x64xi32, #tpu.memory_space<vmem>>)
          tpu.yield
        }) : () -> ()
      } else {
      }
      %eq3A_18 = arith.constant 1 : i32
      %eq3A_19 = arith.cmpi eq, %arg0, %eq3A_18 : i32
      %convert_element_type3A_20 = arith.extui %eq3A_19 : i1 to i32
      %cond3A_21 = arith.constant 0 : i32
      %cond3A_22 = arith.cmpi ne, %convert_element_type3A_20, %cond3A_21 : i32
      scf.if %cond3A_22 {
        "tpu.region"() ({
          %run_scoped3A = tpu.sem_alloc : memref<!tpu.dma_semaphore, #tpu.memory_space<semaphore_mem>>
          %dma_start3A_49 = arith.constant 0 : i32
          %dma_start3A_50 = tpu.memref_slice %arg4[%multiple_of3A, %dma_start3A_49] : memref<5120x64xi32, #tpu.memory_space<hbm>> -> memref<64x64xi32, #tpu.memory_space<hbm>>
          %dma_start3A_51 = arith.constant 0 : i32
          %dma_start3A_52 = tpu.memref_slice %arg4[%multiple_of3A, %dma_start3A_51] : memref<5120x64xi32, #tpu.memory_space<hbm>> -> memref<64x64xi32, #tpu.memory_space<hbm>>
          tpu.enqueue_dma source(%dma_start3A_52 : memref<64x64xi32, #tpu.memory_space<hbm>>) target(%arg9 : memref<64x64xi32, #tpu.memory_space<vmem>>) target_semaphore(%run_scoped3A : memref<!tpu.dma_semaphore, #tpu.memory_space<semaphore_mem>>)
          %dma_wait3A = arith.constant 0 : i32
          %dma_wait3A_53 = tpu.memref_slice %arg4[%multiple_of3A, %dma_wait3A] : memref<5120x64xi32, #tpu.memory_space<hbm>> -> memref<64x64xi32, #tpu.memory_space<hbm>>
          %dma_wait3A_54 = arith.constant 0 : i32
          %dma_wait3A_55 = tpu.memref_slice %arg4[%multiple_of3A, %dma_wait3A_54] : memref<5120x64xi32, #tpu.memory_space<hbm>> -> memref<64x64xi32, #tpu.memory_space<hbm>>
          tpu.wait_dma2 semaphore(%run_scoped3A : memref<!tpu.dma_semaphore, #tpu.memory_space<semaphore_mem>>) src(%dma_wait3A_55 : memref<64x64xi32, #tpu.memory_space<hbm>>) dst(%arg9 : memref<64x64xi32, #tpu.memory_space<vmem>>)
          tpu.yield
        }) : () -> ()
        "tpu.region"() ({
          %run_scoped3A = tpu.sem_alloc : memref<!tpu.dma_semaphore, #tpu.memory_space<semaphore_mem>>
          %dma_start3A_49 = arith.constant 0 : i32
          %dma_start3A_50 = tpu.memref_slice %arg6[%multiple_of3A, %dma_start3A_49] : memref<5120x64xi32, #tpu.memory_space<hbm>> -> memref<64x64xi32, #tpu.memory_space<hbm>>
          %dma_start3A_51 = arith.constant 0 : i32
          %dma_start3A_52 = tpu.memref_slice %arg6[%multiple_of3A, %dma_start3A_51] : memref<5120x64xi32, #tpu.memory_space<hbm>> -> memref<64x64xi32, #tpu.memory_space<hbm>>
          tpu.enqueue_dma source(%dma_start3A_52 : memref<64x64xi32, #tpu.memory_space<hbm>>) target(%arg10 : memref<64x64xi32, #tpu.memory_space<vmem>>) target_semaphore(%run_scoped3A : memref<!tpu.dma_semaphore, #tpu.memory_space<semaphore_mem>>)
          %dma_wait3A = arith.constant 0 : i32
          %dma_wait3A_53 = tpu.memref_slice %arg6[%multiple_of3A, %dma_wait3A] : memref<5120x64xi32, #tpu.memory_space<hbm>> -> memref<64x64xi32, #tpu.memory_space<hbm>>
          %dma_wait3A_54 = arith.constant 0 : i32
          %dma_wait3A_55 = tpu.memref_slice %arg6[%multiple_of3A, %dma_wait3A_54] : memref<5120x64xi32, #tpu.memory_space<hbm>> -> memref<64x64xi32, #tpu.memory_space<hbm>>
          tpu.wait_dma2 semaphore(%run_scoped3A : memref<!tpu.dma_semaphore, #tpu.memory_space<semaphore_mem>>) src(%dma_wait3A_55 : memref<64x64xi32, #tpu.memory_space<hbm>>) dst(%arg10 : memref<64x64xi32, #tpu.memory_space<vmem>>)
          tpu.yield
        }) : () -> ()
      } else {
      }
      %dma_start3A = arith.constant 0 : i32
      %dma_start3A_23 = arith.constant 0 : i32
      %dma_start3A_24 = tpu.memref_slice %arg9[%dma_start3A, %dma_start3A_23] : memref<64x64xi32, #tpu.memory_space<vmem>> -> memref<1x64xi32, #tpu.memory_space<vmem>>
      %dma_start3A_25 = tpu.memref_squeeze %dma_start3A_24 : memref<1x64xi32, #tpu.memory_space<vmem>> -> memref<64xi32, #tpu.memory_space<vmem>>
      %dma_start3A_26 = arith.constant 0 : i32
      %dma_start3A_27 = arith.constant 0 : i32
      %dma_start3A_28 = tpu.memref_slice %arg2[%dma_start3A_26, %dma_start3A_27] : memref<20480x128xf32, #tpu.memory_space<hbm>> -> memref<20480x128xf32, #tpu.memory_space<hbm>>
      tpu.enqueue_indirect_dma source(%dma_start3A_28 : memref<20480x128xf32, #tpu.memory_space<hbm>>) target(%arg11 : memref<64x128xf32, #tpu.memory_space<vmem>>) offsets(%dma_start3A_25 : memref<64xi32, #tpu.memory_space<vmem>>) semaphore(%arg15 : memref<!tpu.dma_semaphore, #tpu.memory_space<semaphore_mem>>)
      %dma_start3A_29 = arith.constant 1 : i32
      %dma_start3A_30 = arith.constant 0 : i32
      %dma_start3A_31 = tpu.memref_slice %arg9[%dma_start3A_29, %dma_start3A_30] : memref<64x64xi32, #tpu.memory_space<vmem>> -> memref<1x64xi32, #tpu.memory_space<vmem>>
      %dma_start3A_32 = tpu.memref_squeeze %dma_start3A_31 : memref<1x64xi32, #tpu.memory_space<vmem>> -> memref<64xi32, #tpu.memory_space<vmem>>
      %dma_start3A_33 = arith.constant 0 : i32
      %dma_start3A_34 = arith.constant 0 : i32
      %dma_start3A_35 = tpu.memref_slice %arg2[%dma_start3A_33, %dma_start3A_34] : memref<20480x128xf32, #tpu.memory_space<hbm>> -> memref<20480x128xf32, #tpu.memory_space<hbm>>
      tpu.enqueue_indirect_dma source(%dma_start3A_35 : memref<20480x128xf32, #tpu.memory_space<hbm>>) target(%arg12 : memref<64x128xf32, #tpu.memory_space<vmem>>) offsets(%dma_start3A_32 : memref<64xi32, #tpu.memory_space<vmem>>) semaphore(%arg16 : memref<!tpu.dma_semaphore, #tpu.memory_space<semaphore_mem>>)
      %dma_start3A_36 = arith.constant 2 : i32
      %dma_start3A_37 = arith.constant 0 : i32
      %dma_start3A_38 = tpu.memref_slice %arg9[%dma_start3A_36, %dma_start3A_37] : memref<64x64xi32, #tpu.memory_space<vmem>> -> memref<1x64xi32, #tpu.memory_space<vmem>>
      %dma_start3A_39 = tpu.memref_squeeze %dma_start3A_38 : memref<1x64xi32, #tpu.memory_space<vmem>> -> memref<64xi32, #tpu.memory_space<vmem>>
      %dma_start3A_40 = arith.constant 0 : i32
      %dma_start3A_41 = arith.constant 0 : i32
      %dma_start3A_42 = tpu.memref_slice %arg2[%dma_start3A_40, %dma_start3A_41] : memref<20480x128xf32, #tpu.memory_space<hbm>> -> memref<20480x128xf32, #tpu.memory_space<hbm>>
      tpu.enqueue_indirect_dma source(%dma_start3A_42 : memref<20480x128xf32, #tpu.memory_space<hbm>>) target(%arg13 : memref<64x128xf32, #tpu.memory_space<vmem>>) offsets(%dma_start3A_39 : memref<64xi32, #tpu.memory_space<vmem>>) semaphore(%arg17 : memref<!tpu.dma_semaphore, #tpu.memory_space<semaphore_mem>>)
      %scan3A_43 = arith.constant 0 : i32
      %scan3A_44 = arith.constant 0 : i32
      %scan3A_45 = arith.constant 16 : i32
      %scan3A_46 = arith.addi %scan3A_44, %scan3A_45 : i32
      %scan3A_47 = arith.constant 1 : i32
      scf.for %scan3A_49 = %scan3A_44 to %scan3A_46 step %scan3A_47  : i32 {
        %mul3A_50 = arith.constant 4 : i32
        %mul3A_51 = arith.muli %scan3A_49, %mul3A_50 : i32
        %add3A_52 = arith.constant 0 : i32
        %add3A_53 = arith.addi %mul3A_51, %add3A_52 : i32
        %dma_wait3A = arith.constant 0 : i32
        %dma_wait3A_54 = tpu.memref_slice %arg9[%add3A_53, %dma_wait3A] : memref<64x64xi32, #tpu.memory_space<vmem>> -> memref<1x64xi32, #tpu.memory_space<vmem>>
        %dma_wait3A_55 = tpu.memref_squeeze %dma_wait3A_54 : memref<1x64xi32, #tpu.memory_space<vmem>> -> memref<64xi32, #tpu.memory_space<vmem>>
        %dma_wait3A_56 = arith.constant 0 : i32
        %dma_wait3A_57 = arith.constant 0 : i32
        %dma_wait3A_58 = tpu.memref_slice %arg2[%dma_wait3A_56, %dma_wait3A_57] : memref<20480x128xf32, #tpu.memory_space<hbm>> -> memref<20480x128xf32, #tpu.memory_space<hbm>>
        tpu.wait_indirect_dma semaphore(%arg15 : memref<!tpu.dma_semaphore, #tpu.memory_space<semaphore_mem>>) src(%dma_wait3A_58 : memref<20480x128xf32, #tpu.memory_space<hbm>>) dst(%arg11 : memref<64x128xf32, #tpu.memory_space<vmem>>)
        "tpu.region"() ({
          %run_scoped3A = tpu.sem_alloc : memref<!tpu.dma_semaphore, #tpu.memory_space<semaphore_mem>>
          %dma_start3A_116 = arith.constant 0 : i32
          %dma_start3A_117 = tpu.memref_slice %arg10[%add3A_53, %dma_start3A_116] : memref<64x64xi32, #tpu.memory_space<vmem>> -> memref<1x64xi32, #tpu.memory_space<vmem>>
          %dma_start3A_118 = tpu.memref_squeeze %dma_start3A_117 : memref<1x64xi32, #tpu.memory_space<vmem>> -> memref<64xi32, #tpu.memory_space<vmem>>
          %dma_start3A_119 = arith.constant 0 : i32
          %dma_start3A_120 = arith.constant 0 : i32
          %dma_start3A_121 = tpu.memref_slice %arg19[%dma_start3A_119, %dma_start3A_120] : memref<10240x128xf32, #tpu.memory_space<vmem_shared>> -> memref<10240x128xf32, #tpu.memory_space<vmem_shared>>
          tpu.enqueue_indirect_dma source(%arg11 : memref<64x128xf32, #tpu.memory_space<vmem>>) target(%dma_start3A_121 : memref<10240x128xf32, #tpu.memory_space<vmem_shared>>) offsets(%dma_start3A_118 : memref<64xi32, #tpu.memory_space<vmem>>) semaphore(%run_scoped3A : memref<!tpu.dma_semaphore, #tpu.memory_space<semaphore_mem>>) {add = true}
          %dma_wait3A_122 = arith.constant 0 : i32
          %dma_wait3A_123 = tpu.memref_slice %arg10[%add3A_53, %dma_wait3A_122] : memref<64x64xi32, #tpu.memory_space<vmem>> -> memref<1x64xi32, #tpu.memory_space<vmem>>
          %dma_wait3A_124 = tpu.memref_squeeze %dma_wait3A_123 : memref<1x64xi32, #tpu.memory_space<vmem>> -> memref<64xi32, #tpu.memory_space<vmem>>
          %dma_wait3A_125 = arith.constant 0 : i32
          %dma_wait3A_126 = arith.constant 0 : i32
          %dma_wait3A_127 = tpu.memref_slice %arg19[%dma_wait3A_125, %dma_wait3A_126] : memref<10240x128xf32, #tpu.memory_space<vmem_shared>> -> memref<10240x128xf32, #tpu.memory_space<vmem_shared>>
          tpu.wait_indirect_dma semaphore(%run_scoped3A : memref<!tpu.dma_semaphore, #tpu.memory_space<semaphore_mem>>) src(%arg11 : memref<64x128xf32, #tpu.memory_space<vmem>>) dst(%dma_wait3A_127 : memref<10240x128xf32, #tpu.memory_space<vmem_shared>>)
          tpu.yield
        }) : () -> ()
        %add3A_59 = arith.constant 3 : i32
        %add3A_60 = arith.addi %add3A_53, %add3A_59 : i32
        %lt3A = arith.constant 64 : i32
        %lt3A_61 = arith.cmpi slt, %add3A_60, %lt3A : i32
        %convert_element_type3A_62 = arith.extui %lt3A_61 : i1 to i32
        %cond3A_63 = arith.constant 0 : i32
        %cond3A_64 = arith.cmpi ne, %convert_element_type3A_62, %cond3A_63 : i32
        scf.if %cond3A_64 {
          %add3A_116 = arith.constant 3 : i32
          %add3A_117 = arith.addi %add3A_53, %add3A_116 : i32
          %dma_start3A_118 = arith.constant 0 : i32
          %dma_start3A_119 = tpu.memref_slice %arg9[%add3A_117, %dma_start3A_118] : memref<64x64xi32, #tpu.memory_space<vmem>> -> memref<1x64xi32, #tpu.memory_space<vmem>>
          %dma_start3A_120 = tpu.memref_squeeze %dma_start3A_119 : memref<1x64xi32, #tpu.memory_space<vmem>> -> memref<64xi32, #tpu.memory_space<vmem>>
          %dma_start3A_121 = arith.constant 0 : i32
          %dma_start3A_122 = arith.constant 0 : i32
          %dma_start3A_123 = tpu.memref_slice %arg2[%dma_start3A_121, %dma_start3A_122] : memref<20480x128xf32, #tpu.memory_space<hbm>> -> memref<20480x128xf32, #tpu.memory_space<hbm>>
          tpu.enqueue_indirect_dma source(%dma_start3A_123 : memref<20480x128xf32, #tpu.memory_space<hbm>>) target(%arg14 : memref<64x128xf32, #tpu.memory_space<vmem>>) offsets(%dma_start3A_120 : memref<64xi32, #tpu.memory_space<vmem>>) semaphore(%arg18 : memref<!tpu.dma_semaphore, #tpu.memory_space<semaphore_mem>>)
        } else {
        }
        %mul3A_65 = arith.constant 4 : i32
        %mul3A_66 = arith.muli %scan3A_49, %mul3A_65 : i32
        %add3A_67 = arith.constant 1 : i32
        %add3A_68 = arith.addi %mul3A_66, %add3A_67 : i32
        %dma_wait3A_69 = arith.constant 0 : i32
        %dma_wait3A_70 = tpu.memref_slice %arg9[%add3A_68, %dma_wait3A_69] : memref<64x64xi32, #tpu.memory_space<vmem>> -> memref<1x64xi32, #tpu.memory_space<vmem>>
        %dma_wait3A_71 = tpu.memref_squeeze %dma_wait3A_70 : memref<1x64xi32, #tpu.memory_space<vmem>> -> memref<64xi32, #tpu.memory_space<vmem>>
        %dma_wait3A_72 = arith.constant 0 : i32
        %dma_wait3A_73 = arith.constant 0 : i32
        %dma_wait3A_74 = tpu.memref_slice %arg2[%dma_wait3A_72, %dma_wait3A_73] : memref<20480x128xf32, #tpu.memory_space<hbm>> -> memref<20480x128xf32, #tpu.memory_space<hbm>>
        tpu.wait_indirect_dma semaphore(%arg16 : memref<!tpu.dma_semaphore, #tpu.memory_space<semaphore_mem>>) src(%dma_wait3A_74 : memref<20480x128xf32, #tpu.memory_space<hbm>>) dst(%arg12 : memref<64x128xf32, #tpu.memory_space<vmem>>)
        "tpu.region"() ({
          %run_scoped3A = tpu.sem_alloc : memref<!tpu.dma_semaphore, #tpu.memory_space<semaphore_mem>>
          %dma_start3A_116 = arith.constant 0 : i32
          %dma_start3A_117 = tpu.memref_slice %arg10[%add3A_68, %dma_start3A_116] : memref<64x64xi32, #tpu.memory_space<vmem>> -> memref<1x64xi32, #tpu.memory_space<vmem>>
          %dma_start3A_118 = tpu.memref_squeeze %dma_start3A_117 : memref<1x64xi32, #tpu.memory_space<vmem>> -> memref<64xi32, #tpu.memory_space<vmem>>
          %dma_start3A_119 = arith.constant 0 : i32
          %dma_start3A_120 = arith.constant 0 : i32
          %dma_start3A_121 = tpu.memref_slice %arg19[%dma_start3A_119, %dma_start3A_120] : memref<10240x128xf32, #tpu.memory_space<vmem_shared>> -> memref<10240x128xf32, #tpu.memory_space<vmem_shared>>
          tpu.enqueue_indirect_dma source(%arg12 : memref<64x128xf32, #tpu.memory_space<vmem>>) target(%dma_start3A_121 : memref<10240x128xf32, #tpu.memory_space<vmem_shared>>) offsets(%dma_start3A_118 : memref<64xi32, #tpu.memory_space<vmem>>) semaphore(%run_scoped3A : memref<!tpu.dma_semaphore, #tpu.memory_space<semaphore_mem>>) {add = true}
          %dma_wait3A_122 = arith.constant 0 : i32
          %dma_wait3A_123 = tpu.memref_slice %arg10[%add3A_68, %dma_wait3A_122] : memref<64x64xi32, #tpu.memory_space<vmem>> -> memref<1x64xi32, #tpu.memory_space<vmem>>
          %dma_wait3A_124 = tpu.memref_squeeze %dma_wait3A_123 : memref<1x64xi32, #tpu.memory_space<vmem>> -> memref<64xi32, #tpu.memory_space<vmem>>
          %dma_wait3A_125 = arith.constant 0 : i32
          %dma_wait3A_126 = arith.constant 0 : i32
          %dma_wait3A_127 = tpu.memref_slice %arg19[%dma_wait3A_125, %dma_wait3A_126] : memref<10240x128xf32, #tpu.memory_space<vmem_shared>> -> memref<10240x128xf32, #tpu.memory_space<vmem_shared>>
          tpu.wait_indirect_dma semaphore(%run_scoped3A : memref<!tpu.dma_semaphore, #tpu.memory_space<semaphore_mem>>) src(%arg12 : memref<64x128xf32, #tpu.memory_space<vmem>>) dst(%dma_wait3A_127 : memref<10240x128xf32, #tpu.memory_space<vmem_shared>>)
          tpu.yield
        }) : () -> ()
        %add3A_75 = arith.constant 3 : i32
        %add3A_76 = arith.addi %add3A_68, %add3A_75 : i32
        %lt3A_77 = arith.constant 64 : i32
        %lt3A_78 = arith.cmpi slt, %add3A_76, %lt3A_77 : i32
        %convert_element_type3A_79 = arith.extui %lt3A_78 : i1 to i32
        %cond3A_80 = arith.constant 0 : i32
        %cond3A_81 = arith.cmpi ne, %convert_element_type3A_79, %cond3A_80 : i32
        scf.if %cond3A_81 {
          %add3A_116 = arith.constant 3 : i32
          %add3A_117 = arith.addi %add3A_68, %add3A_116 : i32
          %dma_start3A_118 = arith.constant 0 : i32
          %dma_start3A_119 = tpu.memref_slice %arg9[%add3A_117, %dma_start3A_118] : memref<64x64xi32, #tpu.memory_space<vmem>> -> memref<1x64xi32, #tpu.memory_space<vmem>>
          %dma_start3A_120 = tpu.memref_squeeze %dma_start3A_119 : memref<1x64xi32, #tpu.memory_space<vmem>> -> memref<64xi32, #tpu.memory_space<vmem>>
          %dma_start3A_121 = arith.constant 0 : i32
          %dma_start3A_122 = arith.constant 0 : i32
          %dma_start3A_123 = tpu.memref_slice %arg2[%dma_start3A_121, %dma_start3A_122] : memref<20480x128xf32, #tpu.memory_space<hbm>> -> memref<20480x128xf32, #tpu.memory_space<hbm>>
          tpu.enqueue_indirect_dma source(%dma_start3A_123 : memref<20480x128xf32, #tpu.memory_space<hbm>>) target(%arg11 : memref<64x128xf32, #tpu.memory_space<vmem>>) offsets(%dma_start3A_120 : memref<64xi32, #tpu.memory_space<vmem>>) semaphore(%arg15 : memref<!tpu.dma_semaphore, #tpu.memory_space<semaphore_mem>>)
        } else {
        }
        %mul3A_82 = arith.constant 4 : i32
        %mul3A_83 = arith.muli %scan3A_49, %mul3A_82 : i32
        %add3A_84 = arith.constant 2 : i32
        %add3A_85 = arith.addi %mul3A_83, %add3A_84 : i32
        %dma_wait3A_86 = arith.constant 0 : i32
        %dma_wait3A_87 = tpu.memref_slice %arg9[%add3A_85, %dma_wait3A_86] : memref<64x64xi32, #tpu.memory_space<vmem>> -> memref<1x64xi32, #tpu.memory_space<vmem>>
        %dma_wait3A_88 = tpu.memref_squeeze %dma_wait3A_87 : memref<1x64xi32, #tpu.memory_space<vmem>> -> memref<64xi32, #tpu.memory_space<vmem>>
        %dma_wait3A_89 = arith.constant 0 : i32
        %dma_wait3A_90 = arith.constant 0 : i32
        %dma_wait3A_91 = tpu.memref_slice %arg2[%dma_wait3A_89, %dma_wait3A_90] : memref<20480x128xf32, #tpu.memory_space<hbm>> -> memref<20480x128xf32, #tpu.memory_space<hbm>>
        tpu.wait_indirect_dma semaphore(%arg17 : memref<!tpu.dma_semaphore, #tpu.memory_space<semaphore_mem>>) src(%dma_wait3A_91 : memref<20480x128xf32, #tpu.memory_space<hbm>>) dst(%arg13 : memref<64x128xf32, #tpu.memory_space<vmem>>)
        "tpu.region"() ({
          %run_scoped3A = tpu.sem_alloc : memref<!tpu.dma_semaphore, #tpu.memory_space<semaphore_mem>>
          %dma_start3A_116 = arith.constant 0 : i32
          %dma_start3A_117 = tpu.memref_slice %arg10[%add3A_85, %dma_start3A_116] : memref<64x64xi32, #tpu.memory_space<vmem>> -> memref<1x64xi32, #tpu.memory_space<vmem>>
          %dma_start3A_118 = tpu.memref_squeeze %dma_start3A_117 : memref<1x64xi32, #tpu.memory_space<vmem>> -> memref<64xi32, #tpu.memory_space<vmem>>
          %dma_start3A_119 = arith.constant 0 : i32
          %dma_start3A_120 = arith.constant 0 : i32
          %dma_start3A_121 = tpu.memref_slice %arg19[%dma_start3A_119, %dma_start3A_120] : memref<10240x128xf32, #tpu.memory_space<vmem_shared>> -> memref<10240x128xf32, #tpu.memory_space<vmem_shared>>
          tpu.enqueue_indirect_dma source(%arg13 : memref<64x128xf32, #tpu.memory_space<vmem>>) target(%dma_start3A_121 : memref<10240x128xf32, #tpu.memory_space<vmem_shared>>) offsets(%dma_start3A_118 : memref<64xi32, #tpu.memory_space<vmem>>) semaphore(%run_scoped3A : memref<!tpu.dma_semaphore, #tpu.memory_space<semaphore_mem>>) {add = true}
          %dma_wait3A_122 = arith.constant 0 : i32
          %dma_wait3A_123 = tpu.memref_slice %arg10[%add3A_85, %dma_wait3A_122] : memref<64x64xi32, #tpu.memory_space<vmem>> -> memref<1x64xi32, #tpu.memory_space<vmem>>
          %dma_wait3A_124 = tpu.memref_squeeze %dma_wait3A_123 : memref<1x64xi32, #tpu.memory_space<vmem>> -> memref<64xi32, #tpu.memory_space<vmem>>
          %dma_wait3A_125 = arith.constant 0 : i32
          %dma_wait3A_126 = arith.constant 0 : i32
          %dma_wait3A_127 = tpu.memref_slice %arg19[%dma_wait3A_125, %dma_wait3A_126] : memref<10240x128xf32, #tpu.memory_space<vmem_shared>> -> memref<10240x128xf32, #tpu.memory_space<vmem_shared>>
          tpu.wait_indirect_dma semaphore(%run_scoped3A : memref<!tpu.dma_semaphore, #tpu.memory_space<semaphore_mem>>) src(%arg13 : memref<64x128xf32, #tpu.memory_space<vmem>>) dst(%dma_wait3A_127 : memref<10240x128xf32, #tpu.memory_space<vmem_shared>>)
          tpu.yield
        }) : () -> ()
        %add3A_92 = arith.constant 3 : i32
        %add3A_93 = arith.addi %add3A_85, %add3A_92 : i32
        %lt3A_94 = arith.constant 64 : i32
        %lt3A_95 = arith.cmpi slt, %add3A_93, %lt3A_94 : i32
        %convert_element_type3A_96 = arith.extui %lt3A_95 : i1 to i32
        %cond3A_97 = arith.constant 0 : i32
        %cond3A_98 = arith.cmpi ne, %convert_element_type3A_96, %cond3A_97 : i32
        scf.if %cond3A_98 {
          %add3A_116 = arith.constant 3 : i32
          %add3A_117 = arith.addi %add3A_85, %add3A_116 : i32
          %dma_start3A_118 = arith.constant 0 : i32
          %dma_start3A_119 = tpu.memref_slice %arg9[%add3A_117, %dma_start3A_118] : memref<64x64xi32, #tpu.memory_space<vmem>> -> memref<1x64xi32, #tpu.memory_space<vmem>>
          %dma_start3A_120 = tpu.memref_squeeze %dma_start3A_119 : memref<1x64xi32, #tpu.memory_space<vmem>> -> memref<64xi32, #tpu.memory_space<vmem>>
          %dma_start3A_121 = arith.constant 0 : i32
          %dma_start3A_122 = arith.constant 0 : i32
          %dma_start3A_123 = tpu.memref_slice %arg2[%dma_start3A_121, %dma_start3A_122] : memref<20480x128xf32, #tpu.memory_space<hbm>> -> memref<20480x128xf32, #tpu.memory_space<hbm>>
          tpu.enqueue_indirect_dma source(%dma_start3A_123 : memref<20480x128xf32, #tpu.memory_space<hbm>>) target(%arg12 : memref<64x128xf32, #tpu.memory_space<vmem>>) offsets(%dma_start3A_120 : memref<64xi32, #tpu.memory_space<vmem>>) semaphore(%arg16 : memref<!tpu.dma_semaphore, #tpu.memory_space<semaphore_mem>>)
        } else {
        }
        %mul3A_99 = arith.constant 4 : i32
        %mul3A_100 = arith.muli %scan3A_49, %mul3A_99 : i32
        %add3A_101 = arith.constant 3 : i32
        %add3A_102 = arith.addi %mul3A_100, %add3A_101 : i32
        %dma_wait3A_103 = arith.constant 0 : i32
        %dma_wait3A_104 = tpu.memref_slice %arg9[%add3A_102, %dma_wait3A_103] : memref<64x64xi32, #tpu.memory_space<vmem>> -> memref<1x64xi32, #tpu.memory_space<vmem>>
        %dma_wait3A_105 = tpu.memref_squeeze %dma_wait3A_104 : memref<1x64xi32, #tpu.memory_space<vmem>> -> memref<64xi32, #tpu.memory_space<vmem>>
        %dma_wait3A_106 = arith.constant 0 : i32
        %dma_wait3A_107 = arith.constant 0 : i32
        %dma_wait3A_108 = tpu.memref_slice %arg2[%dma_wait3A_106, %dma_wait3A_107] : memref<20480x128xf32, #tpu.memory_space<hbm>> -> memref<20480x128xf32, #tpu.memory_space<hbm>>
        tpu.wait_indirect_dma semaphore(%arg18 : memref<!tpu.dma_semaphore, #tpu.memory_space<semaphore_mem>>) src(%dma_wait3A_108 : memref<20480x128xf32, #tpu.memory_space<hbm>>) dst(%arg14 : memref<64x128xf32, #tpu.memory_space<vmem>>)
        "tpu.region"() ({
          %run_scoped3A = tpu.sem_alloc : memref<!tpu.dma_semaphore, #tpu.memory_space<semaphore_mem>>
          %dma_start3A_116 = arith.constant 0 : i32
          %dma_start3A_117 = tpu.memref_slice %arg10[%add3A_102, %dma_start3A_116] : memref<64x64xi32, #tpu.memory_space<vmem>> -> memref<1x64xi32, #tpu.memory_space<vmem>>
          %dma_start3A_118 = tpu.memref_squeeze %dma_start3A_117 : memref<1x64xi32, #tpu.memory_space<vmem>> -> memref<64xi32, #tpu.memory_space<vmem>>
          %dma_start3A_119 = arith.constant 0 : i32
          %dma_start3A_120 = arith.constant 0 : i32
          %dma_start3A_121 = tpu.memref_slice %arg19[%dma_start3A_119, %dma_start3A_120] : memref<10240x128xf32, #tpu.memory_space<vmem_shared>> -> memref<10240x128xf32, #tpu.memory_space<vmem_shared>>
          tpu.enqueue_indirect_dma source(%arg14 : memref<64x128xf32, #tpu.memory_space<vmem>>) target(%dma_start3A_121 : memref<10240x128xf32, #tpu.memory_space<vmem_shared>>) offsets(%dma_start3A_118 : memref<64xi32, #tpu.memory_space<vmem>>) semaphore(%run_scoped3A : memref<!tpu.dma_semaphore, #tpu.memory_space<semaphore_mem>>) {add = true}
          %dma_wait3A_122 = arith.constant 0 : i32
          %dma_wait3A_123 = tpu.memref_slice %arg10[%add3A_102, %dma_wait3A_122] : memref<64x64xi32, #tpu.memory_space<vmem>> -> memref<1x64xi32, #tpu.memory_space<vmem>>
          %dma_wait3A_124 = tpu.memref_squeeze %dma_wait3A_123 : memref<1x64xi32, #tpu.memory_space<vmem>> -> memref<64xi32, #tpu.memory_space<vmem>>
          %dma_wait3A_125 = arith.constant 0 : i32
          %dma_wait3A_126 = arith.constant 0 : i32
          %dma_wait3A_127 = tpu.memref_slice %arg19[%dma_wait3A_125, %dma_wait3A_126] : memref<10240x128xf32, #tpu.memory_space<vmem_shared>> -> memref<10240x128xf32, #tpu.memory_space<vmem_shared>>
          tpu.wait_indirect_dma semaphore(%run_scoped3A : memref<!tpu.dma_semaphore, #tpu.memory_space<semaphore_mem>>) src(%arg14 : memref<64x128xf32, #tpu.memory_space<vmem>>) dst(%dma_wait3A_127 : memref<10240x128xf32, #tpu.memory_space<vmem_shared>>)
          tpu.yield
        }) : () -> ()
        %add3A_109 = arith.constant 3 : i32
        %add3A_110 = arith.addi %add3A_102, %add3A_109 : i32
        %lt3A_111 = arith.constant 64 : i32
        %lt3A_112 = arith.cmpi slt, %add3A_110, %lt3A_111 : i32
        %convert_element_type3A_113 = arith.extui %lt3A_112 : i1 to i32
        %cond3A_114 = arith.constant 0 : i32
        %cond3A_115 = arith.cmpi ne, %convert_element_type3A_113, %cond3A_114 : i32
        scf.if %cond3A_115 {
          %add3A_116 = arith.constant 3 : i32
          %add3A_117 = arith.addi %add3A_102, %add3A_116 : i32
          %dma_start3A_118 = arith.constant 0 : i32
          %dma_start3A_119 = tpu.memref_slice %arg9[%add3A_117, %dma_start3A_118] : memref<64x64xi32, #tpu.memory_space<vmem>> -> memref<1x64xi32, #tpu.memory_space<vmem>>
          %dma_start3A_120 = tpu.memref_squeeze %dma_start3A_119 : memref<1x64xi32, #tpu.memory_space<vmem>> -> memref<64xi32, #tpu.memory_space<vmem>>
          %dma_start3A_121 = arith.constant 0 : i32
          %dma_start3A_122 = arith.constant 0 : i32
          %dma_start3A_123 = tpu.memref_slice %arg2[%dma_start3A_121, %dma_start3A_122] : memref<20480x128xf32, #tpu.memory_space<hbm>> -> memref<20480x128xf32, #tpu.memory_space<hbm>>
          tpu.enqueue_indirect_dma source(%dma_start3A_123 : memref<20480x128xf32, #tpu.memory_space<hbm>>) target(%arg13 : memref<64x128xf32, #tpu.memory_space<vmem>>) offsets(%dma_start3A_120 : memref<64xi32, #tpu.memory_space<vmem>>) semaphore(%arg17 : memref<!tpu.dma_semaphore, #tpu.memory_space<semaphore_mem>>)
        } else {
        }
      }
      %scan3A_48 = arith.constant 16 : i32
    }
    %scan3A_5 = arith.constant 5 : i32
    %barrier3A_6 = arith.constant 0 : index
    tpu.barrier barrier_id(%barrier3A_6)
    %mul3A_7 = arith.constant 640 : i32
    %mul3A_8 = arith.muli %arg1, %mul3A_7 : i32
    %mul3A_9 = arith.constant 640 : i32
    %mul3A_10 = arith.muli %arg1, %mul3A_9 : i32
    "tpu.region"() ({
      %run_scoped3A = tpu.sem_alloc : memref<!tpu.dma_semaphore, #tpu.memory_space<semaphore_mem>>
      %dma_start3A = arith.constant 0 : i32
      %dma_start3A_11 = arith.constant 0 : i32
      %dma_start3A_12 = tpu.memref_slice %arg8[%arg0, %dma_start3A, %dma_start3A_11] : memref<2x10240x128xf32, #tpu.memory_space<hbm>> -> memref<1x10240x128xf32, #tpu.memory_space<hbm>>
      %dma_start3A_13 = tpu.memref_squeeze %dma_start3A_12 : memref<1x10240x128xf32, #tpu.memory_space<hbm>> -> memref<10240x128xf32, #tpu.memory_space<hbm>>
      %dma_start3A_14 = arith.constant 0 : i32
      %dma_start3A_15 = tpu.memref_slice %dma_start3A_13[%mul3A_10, %dma_start3A_14] : memref<10240x128xf32, #tpu.memory_space<hbm>> -> memref<640x128xf32, #tpu.memory_space<hbm>>
      %dma_start3A_16 = arith.constant 0 : i32
      %dma_start3A_17 = tpu.memref_slice %arg19[%mul3A_8, %dma_start3A_16] : memref<10240x128xf32, #tpu.memory_space<vmem_shared>> -> memref<640x128xf32, #tpu.memory_space<vmem_shared>>
      tpu.enqueue_dma source(%dma_start3A_17 : memref<640x128xf32, #tpu.memory_space<vmem_shared>>) target(%dma_start3A_15 : memref<640x128xf32, #tpu.memory_space<hbm>>) target_semaphore(%run_scoped3A : memref<!tpu.dma_semaphore, #tpu.memory_space<semaphore_mem>>)
      %dma_wait3A = arith.constant 0 : i32
      %dma_wait3A_18 = arith.constant 0 : i32
      %dma_wait3A_19 = tpu.memref_slice %arg8[%arg0, %dma_wait3A, %dma_wait3A_18] : memref<2x10240x128xf32, #tpu.memory_space<hbm>> -> memref<1x10240x128xf32, #tpu.memory_space<hbm>>
      %dma_wait3A_20 = tpu.memref_squeeze %dma_wait3A_19 : memref<1x10240x128xf32, #tpu.memory_space<hbm>> -> memref<10240x128xf32, #tpu.memory_space<hbm>>
      %dma_wait3A_21 = arith.constant 0 : i32
      %dma_wait3A_22 = tpu.memref_slice %dma_wait3A_20[%mul3A_10, %dma_wait3A_21] : memref<10240x128xf32, #tpu.memory_space<hbm>> -> memref<640x128xf32, #tpu.memory_space<hbm>>
      %dma_wait3A_23 = arith.constant 0 : i32
      %dma_wait3A_24 = tpu.memref_slice %arg19[%mul3A_8, %dma_wait3A_23] : memref<10240x128xf32, #tpu.memory_space<vmem_shared>> -> memref<640x128xf32, #tpu.memory_space<vmem_shared>>
      tpu.wait_dma2 semaphore(%run_scoped3A : memref<!tpu.dma_semaphore, #tpu.memory_space<semaphore_mem>>) src(%dma_wait3A_24 : memref<640x128xf32, #tpu.memory_space<vmem_shared>>) dst(%dma_wait3A_22 : memref<640x128xf32, #tpu.memory_space<hbm>>)
      tpu.yield
    }) : () -> ()
    return
  }
}

#map = affine_map<(d0, d1) -> (0, 0)>
#map1 = affine_map<(d0, d1) -> (0, 0, 0)>
module attributes {stable_mosaic.version = 14 : i64} {
  func.func @agg_kernel(%arg0: i32, %arg1: i32, %arg2: memref<20480x128xf32, #tpu.memory_space<hbm>>, %arg3: memref<2560x64xi32, #tpu.memory_space<hbm>>, %arg4: memref<2560x64xi32, #tpu.memory_space<hbm>>, %arg5: memref<2560x64xi32, #tpu.memory_space<hbm>>, %arg6: memref<2560x64xi32, #tpu.memory_space<hbm>>, %arg7: memref<640x128xf32, #tpu.memory_space<hbm>>, %arg8: memref<2x10240x128xf32, #tpu.memory_space<hbm>>, %arg9: memref<32x64xi32, #tpu.memory_space<vmem>>, %arg10: memref<32x64xi32, #tpu.memory_space<vmem>>, %arg11: memref<64x128xf32, #tpu.memory_space<vmem>>, %arg12: memref<64x128xf32, #tpu.memory_space<vmem>>, %arg13: memref<64x128xf32, #tpu.memory_space<vmem>>, %arg14: memref<64x128xf32, #tpu.memory_space<vmem>>, %arg15: memref<!tpu.dma_semaphore, #tpu.memory_space<semaphore_mem>>, %arg16: memref<!tpu.dma_semaphore, #tpu.memory_space<semaphore_mem>>, %arg17: memref<!tpu.dma_semaphore, #tpu.memory_space<semaphore_mem>>, %arg18: memref<!tpu.dma_semaphore, #tpu.memory_space<semaphore_mem>>, %arg19: memref<10240x128xf32, #tpu.memory_space<vmem_shared>>) attributes {dimension_semantics = [#tpu.dimension_semantics<core_parallel>, #tpu.dimension_semantics<subcore_parallel>], iteration_bounds = array<i64: 2, 16>, scalar_prefetch = 0 : i64, scratch_operands = 11 : i64, tpu.core_type = #tpu.core_type<sc_vector_subcore>, window_params = [{transform_indices = #map}, {transform_indices = #map}, {transform_indices = #map}, {transform_indices = #map}, {transform_indices = #map}, {transform_indices = #map}, {transform_indices = #map1}]} {
    %mul3A = arith.constant 640 : i32
    %mul3A_0 = arith.muli %arg1, %mul3A : i32
    "tpu.region"() ({
      %run_scoped3A = tpu.sem_alloc : memref<!tpu.dma_semaphore, #tpu.memory_space<semaphore_mem>>
      %dma_start3A = arith.constant 0 : i32
      %dma_start3A_11 = tpu.memref_slice %arg19[%mul3A_0, %dma_start3A] : memref<10240x128xf32, #tpu.memory_space<vmem_shared>> -> memref<640x128xf32, #tpu.memory_space<vmem_shared>>
      tpu.enqueue_dma source(%arg7 : memref<640x128xf32, #tpu.memory_space<hbm>>) target(%dma_start3A_11 : memref<640x128xf32, #tpu.memory_space<vmem_shared>>) target_semaphore(%run_scoped3A : memref<!tpu.dma_semaphore, #tpu.memory_space<semaphore_mem>>)
      %dma_wait3A = arith.constant 0 : i32
      %dma_wait3A_12 = tpu.memref_slice %arg19[%mul3A_0, %dma_wait3A] : memref<10240x128xf32, #tpu.memory_space<vmem_shared>> -> memref<640x128xf32, #tpu.memory_space<vmem_shared>>
      tpu.wait_dma2 semaphore(%run_scoped3A : memref<!tpu.dma_semaphore, #tpu.memory_space<semaphore_mem>>) src(%arg7 : memref<640x128xf32, #tpu.memory_space<hbm>>) dst(%dma_wait3A_12 : memref<640x128xf32, #tpu.memory_space<vmem_shared>>)
      tpu.yield
    }) : () -> ()
    %barrier3A = arith.constant 0 : index
    tpu.barrier barrier_id(%barrier3A)
    %scan3A = arith.constant 0 : i32
    %scan3A_1 = arith.constant 0 : i32
    %scan3A_2 = arith.constant 5 : i32
    %scan3A_3 = arith.addi %scan3A_1, %scan3A_2 : i32
    %scan3A_4 = arith.constant 1 : i32
    scf.for %scan3A_11 = %scan3A_1 to %scan3A_3 step %scan3A_4  : i32 {
      %mul3A_12 = arith.constant 160 : i32
      %mul3A_13 = arith.muli %arg1, %mul3A_12 : i32
      %mul3A_14 = arith.constant 32 : i32
      %mul3A_15 = arith.muli %scan3A_11, %mul3A_14 : i32
      %add3A = arith.addi %mul3A_13, %mul3A_15 : i32
      %multiple_of3A = tpu.assume_multiple %add3A, 8 : i32
      %eq3A = arith.constant 0 : i32
      %eq3A_16 = arith.cmpi eq, %arg0, %eq3A : i32
      %convert_element_type3A = arith.extui %eq3A_16 : i1 to i32
      %cond3A = arith.constant 0 : i32
      %cond3A_17 = arith.cmpi ne, %convert_element_type3A, %cond3A : i32
      scf.if %cond3A_17 {
        "tpu.region"() ({
          %run_scoped3A = tpu.sem_alloc : memref<!tpu.dma_semaphore, #tpu.memory_space<semaphore_mem>>
          %dma_start3A_49 = arith.constant 0 : i32
          %dma_start3A_50 = tpu.memref_slice %arg3[%multiple_of3A, %dma_start3A_49] : memref<2560x64xi32, #tpu.memory_space<hbm>> -> memref<32x64xi32, #tpu.memory_space<hbm>>
          %dma_start3A_51 = arith.constant 0 : i32
          %dma_start3A_52 = tpu.memref_slice %arg3[%multiple_of3A, %dma_start3A_51] : memref<2560x64xi32, #tpu.memory_space<hbm>> -> memref<32x64xi32, #tpu.memory_space<hbm>>
          tpu.enqueue_dma source(%dma_start3A_52 : memref<32x64xi32, #tpu.memory_space<hbm>>) target(%arg9 : memref<32x64xi32, #tpu.memory_space<vmem>>) target_semaphore(%run_scoped3A : memref<!tpu.dma_semaphore, #tpu.memory_space<semaphore_mem>>)
          %dma_wait3A = arith.constant 0 : i32
          %dma_wait3A_53 = tpu.memref_slice %arg3[%multiple_of3A, %dma_wait3A] : memref<2560x64xi32, #tpu.memory_space<hbm>> -> memref<32x64xi32, #tpu.memory_space<hbm>>
          %dma_wait3A_54 = arith.constant 0 : i32
          %dma_wait3A_55 = tpu.memref_slice %arg3[%multiple_of3A, %dma_wait3A_54] : memref<2560x64xi32, #tpu.memory_space<hbm>> -> memref<32x64xi32, #tpu.memory_space<hbm>>
          tpu.wait_dma2 semaphore(%run_scoped3A : memref<!tpu.dma_semaphore, #tpu.memory_space<semaphore_mem>>) src(%dma_wait3A_55 : memref<32x64xi32, #tpu.memory_space<hbm>>) dst(%arg9 : memref<32x64xi32, #tpu.memory_space<vmem>>)
          tpu.yield
        }) : () -> ()
        "tpu.region"() ({
          %run_scoped3A = tpu.sem_alloc : memref<!tpu.dma_semaphore, #tpu.memory_space<semaphore_mem>>
          %dma_start3A_49 = arith.constant 0 : i32
          %dma_start3A_50 = tpu.memref_slice %arg5[%multiple_of3A, %dma_start3A_49] : memref<2560x64xi32, #tpu.memory_space<hbm>> -> memref<32x64xi32, #tpu.memory_space<hbm>>
          %dma_start3A_51 = arith.constant 0 : i32
          %dma_start3A_52 = tpu.memref_slice %arg5[%multiple_of3A, %dma_start3A_51] : memref<2560x64xi32, #tpu.memory_space<hbm>> -> memref<32x64xi32, #tpu.memory_space<hbm>>
          tpu.enqueue_dma source(%dma_start3A_52 : memref<32x64xi32, #tpu.memory_space<hbm>>) target(%arg10 : memref<32x64xi32, #tpu.memory_space<vmem>>) target_semaphore(%run_scoped3A : memref<!tpu.dma_semaphore, #tpu.memory_space<semaphore_mem>>)
          %dma_wait3A = arith.constant 0 : i32
          %dma_wait3A_53 = tpu.memref_slice %arg5[%multiple_of3A, %dma_wait3A] : memref<2560x64xi32, #tpu.memory_space<hbm>> -> memref<32x64xi32, #tpu.memory_space<hbm>>
          %dma_wait3A_54 = arith.constant 0 : i32
          %dma_wait3A_55 = tpu.memref_slice %arg5[%multiple_of3A, %dma_wait3A_54] : memref<2560x64xi32, #tpu.memory_space<hbm>> -> memref<32x64xi32, #tpu.memory_space<hbm>>
          tpu.wait_dma2 semaphore(%run_scoped3A : memref<!tpu.dma_semaphore, #tpu.memory_space<semaphore_mem>>) src(%dma_wait3A_55 : memref<32x64xi32, #tpu.memory_space<hbm>>) dst(%arg10 : memref<32x64xi32, #tpu.memory_space<vmem>>)
          tpu.yield
        }) : () -> ()
      } else {
      }
      %eq3A_18 = arith.constant 1 : i32
      %eq3A_19 = arith.cmpi eq, %arg0, %eq3A_18 : i32
      %convert_element_type3A_20 = arith.extui %eq3A_19 : i1 to i32
      %cond3A_21 = arith.constant 0 : i32
      %cond3A_22 = arith.cmpi ne, %convert_element_type3A_20, %cond3A_21 : i32
      scf.if %cond3A_22 {
        "tpu.region"() ({
          %run_scoped3A = tpu.sem_alloc : memref<!tpu.dma_semaphore, #tpu.memory_space<semaphore_mem>>
          %dma_start3A_49 = arith.constant 0 : i32
          %dma_start3A_50 = tpu.memref_slice %arg4[%multiple_of3A, %dma_start3A_49] : memref<2560x64xi32, #tpu.memory_space<hbm>> -> memref<32x64xi32, #tpu.memory_space<hbm>>
          %dma_start3A_51 = arith.constant 0 : i32
          %dma_start3A_52 = tpu.memref_slice %arg4[%multiple_of3A, %dma_start3A_51] : memref<2560x64xi32, #tpu.memory_space<hbm>> -> memref<32x64xi32, #tpu.memory_space<hbm>>
          tpu.enqueue_dma source(%dma_start3A_52 : memref<32x64xi32, #tpu.memory_space<hbm>>) target(%arg9 : memref<32x64xi32, #tpu.memory_space<vmem>>) target_semaphore(%run_scoped3A : memref<!tpu.dma_semaphore, #tpu.memory_space<semaphore_mem>>)
          %dma_wait3A = arith.constant 0 : i32
          %dma_wait3A_53 = tpu.memref_slice %arg4[%multiple_of3A, %dma_wait3A] : memref<2560x64xi32, #tpu.memory_space<hbm>> -> memref<32x64xi32, #tpu.memory_space<hbm>>
          %dma_wait3A_54 = arith.constant 0 : i32
          %dma_wait3A_55 = tpu.memref_slice %arg4[%multiple_of3A, %dma_wait3A_54] : memref<2560x64xi32, #tpu.memory_space<hbm>> -> memref<32x64xi32, #tpu.memory_space<hbm>>
          tpu.wait_dma2 semaphore(%run_scoped3A : memref<!tpu.dma_semaphore, #tpu.memory_space<semaphore_mem>>) src(%dma_wait3A_55 : memref<32x64xi32, #tpu.memory_space<hbm>>) dst(%arg9 : memref<32x64xi32, #tpu.memory_space<vmem>>)
          tpu.yield
        }) : () -> ()
        "tpu.region"() ({
          %run_scoped3A = tpu.sem_alloc : memref<!tpu.dma_semaphore, #tpu.memory_space<semaphore_mem>>
          %dma_start3A_49 = arith.constant 0 : i32
          %dma_start3A_50 = tpu.memref_slice %arg6[%multiple_of3A, %dma_start3A_49] : memref<2560x64xi32, #tpu.memory_space<hbm>> -> memref<32x64xi32, #tpu.memory_space<hbm>>
          %dma_start3A_51 = arith.constant 0 : i32
          %dma_start3A_52 = tpu.memref_slice %arg6[%multiple_of3A, %dma_start3A_51] : memref<2560x64xi32, #tpu.memory_space<hbm>> -> memref<32x64xi32, #tpu.memory_space<hbm>>
          tpu.enqueue_dma source(%dma_start3A_52 : memref<32x64xi32, #tpu.memory_space<hbm>>) target(%arg10 : memref<32x64xi32, #tpu.memory_space<vmem>>) target_semaphore(%run_scoped3A : memref<!tpu.dma_semaphore, #tpu.memory_space<semaphore_mem>>)
          %dma_wait3A = arith.constant 0 : i32
          %dma_wait3A_53 = tpu.memref_slice %arg6[%multiple_of3A, %dma_wait3A] : memref<2560x64xi32, #tpu.memory_space<hbm>> -> memref<32x64xi32, #tpu.memory_space<hbm>>
          %dma_wait3A_54 = arith.constant 0 : i32
          %dma_wait3A_55 = tpu.memref_slice %arg6[%multiple_of3A, %dma_wait3A_54] : memref<2560x64xi32, #tpu.memory_space<hbm>> -> memref<32x64xi32, #tpu.memory_space<hbm>>
          tpu.wait_dma2 semaphore(%run_scoped3A : memref<!tpu.dma_semaphore, #tpu.memory_space<semaphore_mem>>) src(%dma_wait3A_55 : memref<32x64xi32, #tpu.memory_space<hbm>>) dst(%arg10 : memref<32x64xi32, #tpu.memory_space<vmem>>)
          tpu.yield
        }) : () -> ()
      } else {
      }
      %dma_start3A = arith.constant 0 : i32
      %dma_start3A_23 = arith.constant 0 : i32
      %dma_start3A_24 = tpu.memref_slice %arg9[%dma_start3A, %dma_start3A_23] : memref<32x64xi32, #tpu.memory_space<vmem>> -> memref<1x64xi32, #tpu.memory_space<vmem>>
      %dma_start3A_25 = tpu.memref_squeeze %dma_start3A_24 : memref<1x64xi32, #tpu.memory_space<vmem>> -> memref<64xi32, #tpu.memory_space<vmem>>
      %dma_start3A_26 = arith.constant 0 : i32
      %dma_start3A_27 = arith.constant 0 : i32
      %dma_start3A_28 = tpu.memref_slice %arg2[%dma_start3A_26, %dma_start3A_27] : memref<20480x128xf32, #tpu.memory_space<hbm>> -> memref<20480x128xf32, #tpu.memory_space<hbm>>
      tpu.enqueue_indirect_dma source(%dma_start3A_28 : memref<20480x128xf32, #tpu.memory_space<hbm>>) target(%arg11 : memref<64x128xf32, #tpu.memory_space<vmem>>) offsets(%dma_start3A_25 : memref<64xi32, #tpu.memory_space<vmem>>) semaphore(%arg15 : memref<!tpu.dma_semaphore, #tpu.memory_space<semaphore_mem>>)
      %dma_start3A_29 = arith.constant 1 : i32
      %dma_start3A_30 = arith.constant 0 : i32
      %dma_start3A_31 = tpu.memref_slice %arg9[%dma_start3A_29, %dma_start3A_30] : memref<32x64xi32, #tpu.memory_space<vmem>> -> memref<1x64xi32, #tpu.memory_space<vmem>>
      %dma_start3A_32 = tpu.memref_squeeze %dma_start3A_31 : memref<1x64xi32, #tpu.memory_space<vmem>> -> memref<64xi32, #tpu.memory_space<vmem>>
      %dma_start3A_33 = arith.constant 0 : i32
      %dma_start3A_34 = arith.constant 0 : i32
      %dma_start3A_35 = tpu.memref_slice %arg2[%dma_start3A_33, %dma_start3A_34] : memref<20480x128xf32, #tpu.memory_space<hbm>> -> memref<20480x128xf32, #tpu.memory_space<hbm>>
      tpu.enqueue_indirect_dma source(%dma_start3A_35 : memref<20480x128xf32, #tpu.memory_space<hbm>>) target(%arg12 : memref<64x128xf32, #tpu.memory_space<vmem>>) offsets(%dma_start3A_32 : memref<64xi32, #tpu.memory_space<vmem>>) semaphore(%arg16 : memref<!tpu.dma_semaphore, #tpu.memory_space<semaphore_mem>>)
      %dma_start3A_36 = arith.constant 2 : i32
      %dma_start3A_37 = arith.constant 0 : i32
      %dma_start3A_38 = tpu.memref_slice %arg9[%dma_start3A_36, %dma_start3A_37] : memref<32x64xi32, #tpu.memory_space<vmem>> -> memref<1x64xi32, #tpu.memory_space<vmem>>
      %dma_start3A_39 = tpu.memref_squeeze %dma_start3A_38 : memref<1x64xi32, #tpu.memory_space<vmem>> -> memref<64xi32, #tpu.memory_space<vmem>>
      %dma_start3A_40 = arith.constant 0 : i32
      %dma_start3A_41 = arith.constant 0 : i32
      %dma_start3A_42 = tpu.memref_slice %arg2[%dma_start3A_40, %dma_start3A_41] : memref<20480x128xf32, #tpu.memory_space<hbm>> -> memref<20480x128xf32, #tpu.memory_space<hbm>>
      tpu.enqueue_indirect_dma source(%dma_start3A_42 : memref<20480x128xf32, #tpu.memory_space<hbm>>) target(%arg13 : memref<64x128xf32, #tpu.memory_space<vmem>>) offsets(%dma_start3A_39 : memref<64xi32, #tpu.memory_space<vmem>>) semaphore(%arg17 : memref<!tpu.dma_semaphore, #tpu.memory_space<semaphore_mem>>)
      %scan3A_43 = arith.constant 0 : i32
      %scan3A_44 = arith.constant 0 : i32
      %scan3A_45 = arith.constant 8 : i32
      %scan3A_46 = arith.addi %scan3A_44, %scan3A_45 : i32
      %scan3A_47 = arith.constant 1 : i32
      scf.for %scan3A_49 = %scan3A_44 to %scan3A_46 step %scan3A_47  : i32 {
        %mul3A_50 = arith.constant 4 : i32
        %mul3A_51 = arith.muli %scan3A_49, %mul3A_50 : i32
        %add3A_52 = arith.constant 0 : i32
        %add3A_53 = arith.addi %mul3A_51, %add3A_52 : i32
        %dma_wait3A = arith.constant 0 : i32
        %dma_wait3A_54 = tpu.memref_slice %arg9[%add3A_53, %dma_wait3A] : memref<32x64xi32, #tpu.memory_space<vmem>> -> memref<1x64xi32, #tpu.memory_space<vmem>>
        %dma_wait3A_55 = tpu.memref_squeeze %dma_wait3A_54 : memref<1x64xi32, #tpu.memory_space<vmem>> -> memref<64xi32, #tpu.memory_space<vmem>>
        %dma_wait3A_56 = arith.constant 0 : i32
        %dma_wait3A_57 = arith.constant 0 : i32
        %dma_wait3A_58 = tpu.memref_slice %arg2[%dma_wait3A_56, %dma_wait3A_57] : memref<20480x128xf32, #tpu.memory_space<hbm>> -> memref<20480x128xf32, #tpu.memory_space<hbm>>
        tpu.wait_indirect_dma semaphore(%arg15 : memref<!tpu.dma_semaphore, #tpu.memory_space<semaphore_mem>>) src(%dma_wait3A_58 : memref<20480x128xf32, #tpu.memory_space<hbm>>) dst(%arg11 : memref<64x128xf32, #tpu.memory_space<vmem>>)
        "tpu.region"() ({
          %run_scoped3A = tpu.sem_alloc : memref<!tpu.dma_semaphore, #tpu.memory_space<semaphore_mem>>
          %dma_start3A_116 = arith.constant 0 : i32
          %dma_start3A_117 = tpu.memref_slice %arg10[%add3A_53, %dma_start3A_116] : memref<32x64xi32, #tpu.memory_space<vmem>> -> memref<1x64xi32, #tpu.memory_space<vmem>>
          %dma_start3A_118 = tpu.memref_squeeze %dma_start3A_117 : memref<1x64xi32, #tpu.memory_space<vmem>> -> memref<64xi32, #tpu.memory_space<vmem>>
          %dma_start3A_119 = arith.constant 0 : i32
          %dma_start3A_120 = arith.constant 0 : i32
          %dma_start3A_121 = tpu.memref_slice %arg19[%dma_start3A_119, %dma_start3A_120] : memref<10240x128xf32, #tpu.memory_space<vmem_shared>> -> memref<10240x128xf32, #tpu.memory_space<vmem_shared>>
          tpu.enqueue_indirect_dma source(%arg11 : memref<64x128xf32, #tpu.memory_space<vmem>>) target(%dma_start3A_121 : memref<10240x128xf32, #tpu.memory_space<vmem_shared>>) offsets(%dma_start3A_118 : memref<64xi32, #tpu.memory_space<vmem>>) semaphore(%run_scoped3A : memref<!tpu.dma_semaphore, #tpu.memory_space<semaphore_mem>>) {add = true}
          %dma_wait3A_122 = arith.constant 0 : i32
          %dma_wait3A_123 = tpu.memref_slice %arg10[%add3A_53, %dma_wait3A_122] : memref<32x64xi32, #tpu.memory_space<vmem>> -> memref<1x64xi32, #tpu.memory_space<vmem>>
          %dma_wait3A_124 = tpu.memref_squeeze %dma_wait3A_123 : memref<1x64xi32, #tpu.memory_space<vmem>> -> memref<64xi32, #tpu.memory_space<vmem>>
          %dma_wait3A_125 = arith.constant 0 : i32
          %dma_wait3A_126 = arith.constant 0 : i32
          %dma_wait3A_127 = tpu.memref_slice %arg19[%dma_wait3A_125, %dma_wait3A_126] : memref<10240x128xf32, #tpu.memory_space<vmem_shared>> -> memref<10240x128xf32, #tpu.memory_space<vmem_shared>>
          tpu.wait_indirect_dma semaphore(%run_scoped3A : memref<!tpu.dma_semaphore, #tpu.memory_space<semaphore_mem>>) src(%arg11 : memref<64x128xf32, #tpu.memory_space<vmem>>) dst(%dma_wait3A_127 : memref<10240x128xf32, #tpu.memory_space<vmem_shared>>)
          tpu.yield
        }) : () -> ()
        %add3A_59 = arith.constant 3 : i32
        %add3A_60 = arith.addi %add3A_53, %add3A_59 : i32
        %lt3A = arith.constant 32 : i32
        %lt3A_61 = arith.cmpi slt, %add3A_60, %lt3A : i32
        %convert_element_type3A_62 = arith.extui %lt3A_61 : i1 to i32
        %cond3A_63 = arith.constant 0 : i32
        %cond3A_64 = arith.cmpi ne, %convert_element_type3A_62, %cond3A_63 : i32
        scf.if %cond3A_64 {
          %add3A_116 = arith.constant 3 : i32
          %add3A_117 = arith.addi %add3A_53, %add3A_116 : i32
          %dma_start3A_118 = arith.constant 0 : i32
          %dma_start3A_119 = tpu.memref_slice %arg9[%add3A_117, %dma_start3A_118] : memref<32x64xi32, #tpu.memory_space<vmem>> -> memref<1x64xi32, #tpu.memory_space<vmem>>
          %dma_start3A_120 = tpu.memref_squeeze %dma_start3A_119 : memref<1x64xi32, #tpu.memory_space<vmem>> -> memref<64xi32, #tpu.memory_space<vmem>>
          %dma_start3A_121 = arith.constant 0 : i32
          %dma_start3A_122 = arith.constant 0 : i32
          %dma_start3A_123 = tpu.memref_slice %arg2[%dma_start3A_121, %dma_start3A_122] : memref<20480x128xf32, #tpu.memory_space<hbm>> -> memref<20480x128xf32, #tpu.memory_space<hbm>>
          tpu.enqueue_indirect_dma source(%dma_start3A_123 : memref<20480x128xf32, #tpu.memory_space<hbm>>) target(%arg14 : memref<64x128xf32, #tpu.memory_space<vmem>>) offsets(%dma_start3A_120 : memref<64xi32, #tpu.memory_space<vmem>>) semaphore(%arg18 : memref<!tpu.dma_semaphore, #tpu.memory_space<semaphore_mem>>)
        } else {
        }
        %mul3A_65 = arith.constant 4 : i32
        %mul3A_66 = arith.muli %scan3A_49, %mul3A_65 : i32
        %add3A_67 = arith.constant 1 : i32
        %add3A_68 = arith.addi %mul3A_66, %add3A_67 : i32
        %dma_wait3A_69 = arith.constant 0 : i32
        %dma_wait3A_70 = tpu.memref_slice %arg9[%add3A_68, %dma_wait3A_69] : memref<32x64xi32, #tpu.memory_space<vmem>> -> memref<1x64xi32, #tpu.memory_space<vmem>>
        %dma_wait3A_71 = tpu.memref_squeeze %dma_wait3A_70 : memref<1x64xi32, #tpu.memory_space<vmem>> -> memref<64xi32, #tpu.memory_space<vmem>>
        %dma_wait3A_72 = arith.constant 0 : i32
        %dma_wait3A_73 = arith.constant 0 : i32
        %dma_wait3A_74 = tpu.memref_slice %arg2[%dma_wait3A_72, %dma_wait3A_73] : memref<20480x128xf32, #tpu.memory_space<hbm>> -> memref<20480x128xf32, #tpu.memory_space<hbm>>
        tpu.wait_indirect_dma semaphore(%arg16 : memref<!tpu.dma_semaphore, #tpu.memory_space<semaphore_mem>>) src(%dma_wait3A_74 : memref<20480x128xf32, #tpu.memory_space<hbm>>) dst(%arg12 : memref<64x128xf32, #tpu.memory_space<vmem>>)
        "tpu.region"() ({
          %run_scoped3A = tpu.sem_alloc : memref<!tpu.dma_semaphore, #tpu.memory_space<semaphore_mem>>
          %dma_start3A_116 = arith.constant 0 : i32
          %dma_start3A_117 = tpu.memref_slice %arg10[%add3A_68, %dma_start3A_116] : memref<32x64xi32, #tpu.memory_space<vmem>> -> memref<1x64xi32, #tpu.memory_space<vmem>>
          %dma_start3A_118 = tpu.memref_squeeze %dma_start3A_117 : memref<1x64xi32, #tpu.memory_space<vmem>> -> memref<64xi32, #tpu.memory_space<vmem>>
          %dma_start3A_119 = arith.constant 0 : i32
          %dma_start3A_120 = arith.constant 0 : i32
          %dma_start3A_121 = tpu.memref_slice %arg19[%dma_start3A_119, %dma_start3A_120] : memref<10240x128xf32, #tpu.memory_space<vmem_shared>> -> memref<10240x128xf32, #tpu.memory_space<vmem_shared>>
          tpu.enqueue_indirect_dma source(%arg12 : memref<64x128xf32, #tpu.memory_space<vmem>>) target(%dma_start3A_121 : memref<10240x128xf32, #tpu.memory_space<vmem_shared>>) offsets(%dma_start3A_118 : memref<64xi32, #tpu.memory_space<vmem>>) semaphore(%run_scoped3A : memref<!tpu.dma_semaphore, #tpu.memory_space<semaphore_mem>>) {add = true}
          %dma_wait3A_122 = arith.constant 0 : i32
          %dma_wait3A_123 = tpu.memref_slice %arg10[%add3A_68, %dma_wait3A_122] : memref<32x64xi32, #tpu.memory_space<vmem>> -> memref<1x64xi32, #tpu.memory_space<vmem>>
          %dma_wait3A_124 = tpu.memref_squeeze %dma_wait3A_123 : memref<1x64xi32, #tpu.memory_space<vmem>> -> memref<64xi32, #tpu.memory_space<vmem>>
          %dma_wait3A_125 = arith.constant 0 : i32
          %dma_wait3A_126 = arith.constant 0 : i32
          %dma_wait3A_127 = tpu.memref_slice %arg19[%dma_wait3A_125, %dma_wait3A_126] : memref<10240x128xf32, #tpu.memory_space<vmem_shared>> -> memref<10240x128xf32, #tpu.memory_space<vmem_shared>>
          tpu.wait_indirect_dma semaphore(%run_scoped3A : memref<!tpu.dma_semaphore, #tpu.memory_space<semaphore_mem>>) src(%arg12 : memref<64x128xf32, #tpu.memory_space<vmem>>) dst(%dma_wait3A_127 : memref<10240x128xf32, #tpu.memory_space<vmem_shared>>)
          tpu.yield
        }) : () -> ()
        %add3A_75 = arith.constant 3 : i32
        %add3A_76 = arith.addi %add3A_68, %add3A_75 : i32
        %lt3A_77 = arith.constant 32 : i32
        %lt3A_78 = arith.cmpi slt, %add3A_76, %lt3A_77 : i32
        %convert_element_type3A_79 = arith.extui %lt3A_78 : i1 to i32
        %cond3A_80 = arith.constant 0 : i32
        %cond3A_81 = arith.cmpi ne, %convert_element_type3A_79, %cond3A_80 : i32
        scf.if %cond3A_81 {
          %add3A_116 = arith.constant 3 : i32
          %add3A_117 = arith.addi %add3A_68, %add3A_116 : i32
          %dma_start3A_118 = arith.constant 0 : i32
          %dma_start3A_119 = tpu.memref_slice %arg9[%add3A_117, %dma_start3A_118] : memref<32x64xi32, #tpu.memory_space<vmem>> -> memref<1x64xi32, #tpu.memory_space<vmem>>
          %dma_start3A_120 = tpu.memref_squeeze %dma_start3A_119 : memref<1x64xi32, #tpu.memory_space<vmem>> -> memref<64xi32, #tpu.memory_space<vmem>>
          %dma_start3A_121 = arith.constant 0 : i32
          %dma_start3A_122 = arith.constant 0 : i32
          %dma_start3A_123 = tpu.memref_slice %arg2[%dma_start3A_121, %dma_start3A_122] : memref<20480x128xf32, #tpu.memory_space<hbm>> -> memref<20480x128xf32, #tpu.memory_space<hbm>>
          tpu.enqueue_indirect_dma source(%dma_start3A_123 : memref<20480x128xf32, #tpu.memory_space<hbm>>) target(%arg11 : memref<64x128xf32, #tpu.memory_space<vmem>>) offsets(%dma_start3A_120 : memref<64xi32, #tpu.memory_space<vmem>>) semaphore(%arg15 : memref<!tpu.dma_semaphore, #tpu.memory_space<semaphore_mem>>)
        } else {
        }
        %mul3A_82 = arith.constant 4 : i32
        %mul3A_83 = arith.muli %scan3A_49, %mul3A_82 : i32
        %add3A_84 = arith.constant 2 : i32
        %add3A_85 = arith.addi %mul3A_83, %add3A_84 : i32
        %dma_wait3A_86 = arith.constant 0 : i32
        %dma_wait3A_87 = tpu.memref_slice %arg9[%add3A_85, %dma_wait3A_86] : memref<32x64xi32, #tpu.memory_space<vmem>> -> memref<1x64xi32, #tpu.memory_space<vmem>>
        %dma_wait3A_88 = tpu.memref_squeeze %dma_wait3A_87 : memref<1x64xi32, #tpu.memory_space<vmem>> -> memref<64xi32, #tpu.memory_space<vmem>>
        %dma_wait3A_89 = arith.constant 0 : i32
        %dma_wait3A_90 = arith.constant 0 : i32
        %dma_wait3A_91 = tpu.memref_slice %arg2[%dma_wait3A_89, %dma_wait3A_90] : memref<20480x128xf32, #tpu.memory_space<hbm>> -> memref<20480x128xf32, #tpu.memory_space<hbm>>
        tpu.wait_indirect_dma semaphore(%arg17 : memref<!tpu.dma_semaphore, #tpu.memory_space<semaphore_mem>>) src(%dma_wait3A_91 : memref<20480x128xf32, #tpu.memory_space<hbm>>) dst(%arg13 : memref<64x128xf32, #tpu.memory_space<vmem>>)
        "tpu.region"() ({
          %run_scoped3A = tpu.sem_alloc : memref<!tpu.dma_semaphore, #tpu.memory_space<semaphore_mem>>
          %dma_start3A_116 = arith.constant 0 : i32
          %dma_start3A_117 = tpu.memref_slice %arg10[%add3A_85, %dma_start3A_116] : memref<32x64xi32, #tpu.memory_space<vmem>> -> memref<1x64xi32, #tpu.memory_space<vmem>>
          %dma_start3A_118 = tpu.memref_squeeze %dma_start3A_117 : memref<1x64xi32, #tpu.memory_space<vmem>> -> memref<64xi32, #tpu.memory_space<vmem>>
          %dma_start3A_119 = arith.constant 0 : i32
          %dma_start3A_120 = arith.constant 0 : i32
          %dma_start3A_121 = tpu.memref_slice %arg19[%dma_start3A_119, %dma_start3A_120] : memref<10240x128xf32, #tpu.memory_space<vmem_shared>> -> memref<10240x128xf32, #tpu.memory_space<vmem_shared>>
          tpu.enqueue_indirect_dma source(%arg13 : memref<64x128xf32, #tpu.memory_space<vmem>>) target(%dma_start3A_121 : memref<10240x128xf32, #tpu.memory_space<vmem_shared>>) offsets(%dma_start3A_118 : memref<64xi32, #tpu.memory_space<vmem>>) semaphore(%run_scoped3A : memref<!tpu.dma_semaphore, #tpu.memory_space<semaphore_mem>>) {add = true}
          %dma_wait3A_122 = arith.constant 0 : i32
          %dma_wait3A_123 = tpu.memref_slice %arg10[%add3A_85, %dma_wait3A_122] : memref<32x64xi32, #tpu.memory_space<vmem>> -> memref<1x64xi32, #tpu.memory_space<vmem>>
          %dma_wait3A_124 = tpu.memref_squeeze %dma_wait3A_123 : memref<1x64xi32, #tpu.memory_space<vmem>> -> memref<64xi32, #tpu.memory_space<vmem>>
          %dma_wait3A_125 = arith.constant 0 : i32
          %dma_wait3A_126 = arith.constant 0 : i32
          %dma_wait3A_127 = tpu.memref_slice %arg19[%dma_wait3A_125, %dma_wait3A_126] : memref<10240x128xf32, #tpu.memory_space<vmem_shared>> -> memref<10240x128xf32, #tpu.memory_space<vmem_shared>>
          tpu.wait_indirect_dma semaphore(%run_scoped3A : memref<!tpu.dma_semaphore, #tpu.memory_space<semaphore_mem>>) src(%arg13 : memref<64x128xf32, #tpu.memory_space<vmem>>) dst(%dma_wait3A_127 : memref<10240x128xf32, #tpu.memory_space<vmem_shared>>)
          tpu.yield
        }) : () -> ()
        %add3A_92 = arith.constant 3 : i32
        %add3A_93 = arith.addi %add3A_85, %add3A_92 : i32
        %lt3A_94 = arith.constant 32 : i32
        %lt3A_95 = arith.cmpi slt, %add3A_93, %lt3A_94 : i32
        %convert_element_type3A_96 = arith.extui %lt3A_95 : i1 to i32
        %cond3A_97 = arith.constant 0 : i32
        %cond3A_98 = arith.cmpi ne, %convert_element_type3A_96, %cond3A_97 : i32
        scf.if %cond3A_98 {
          %add3A_116 = arith.constant 3 : i32
          %add3A_117 = arith.addi %add3A_85, %add3A_116 : i32
          %dma_start3A_118 = arith.constant 0 : i32
          %dma_start3A_119 = tpu.memref_slice %arg9[%add3A_117, %dma_start3A_118] : memref<32x64xi32, #tpu.memory_space<vmem>> -> memref<1x64xi32, #tpu.memory_space<vmem>>
          %dma_start3A_120 = tpu.memref_squeeze %dma_start3A_119 : memref<1x64xi32, #tpu.memory_space<vmem>> -> memref<64xi32, #tpu.memory_space<vmem>>
          %dma_start3A_121 = arith.constant 0 : i32
          %dma_start3A_122 = arith.constant 0 : i32
          %dma_start3A_123 = tpu.memref_slice %arg2[%dma_start3A_121, %dma_start3A_122] : memref<20480x128xf32, #tpu.memory_space<hbm>> -> memref<20480x128xf32, #tpu.memory_space<hbm>>
          tpu.enqueue_indirect_dma source(%dma_start3A_123 : memref<20480x128xf32, #tpu.memory_space<hbm>>) target(%arg12 : memref<64x128xf32, #tpu.memory_space<vmem>>) offsets(%dma_start3A_120 : memref<64xi32, #tpu.memory_space<vmem>>) semaphore(%arg16 : memref<!tpu.dma_semaphore, #tpu.memory_space<semaphore_mem>>)
        } else {
        }
        %mul3A_99 = arith.constant 4 : i32
        %mul3A_100 = arith.muli %scan3A_49, %mul3A_99 : i32
        %add3A_101 = arith.constant 3 : i32
        %add3A_102 = arith.addi %mul3A_100, %add3A_101 : i32
        %dma_wait3A_103 = arith.constant 0 : i32
        %dma_wait3A_104 = tpu.memref_slice %arg9[%add3A_102, %dma_wait3A_103] : memref<32x64xi32, #tpu.memory_space<vmem>> -> memref<1x64xi32, #tpu.memory_space<vmem>>
        %dma_wait3A_105 = tpu.memref_squeeze %dma_wait3A_104 : memref<1x64xi32, #tpu.memory_space<vmem>> -> memref<64xi32, #tpu.memory_space<vmem>>
        %dma_wait3A_106 = arith.constant 0 : i32
        %dma_wait3A_107 = arith.constant 0 : i32
        %dma_wait3A_108 = tpu.memref_slice %arg2[%dma_wait3A_106, %dma_wait3A_107] : memref<20480x128xf32, #tpu.memory_space<hbm>> -> memref<20480x128xf32, #tpu.memory_space<hbm>>
        tpu.wait_indirect_dma semaphore(%arg18 : memref<!tpu.dma_semaphore, #tpu.memory_space<semaphore_mem>>) src(%dma_wait3A_108 : memref<20480x128xf32, #tpu.memory_space<hbm>>) dst(%arg14 : memref<64x128xf32, #tpu.memory_space<vmem>>)
        "tpu.region"() ({
          %run_scoped3A = tpu.sem_alloc : memref<!tpu.dma_semaphore, #tpu.memory_space<semaphore_mem>>
          %dma_start3A_116 = arith.constant 0 : i32
          %dma_start3A_117 = tpu.memref_slice %arg10[%add3A_102, %dma_start3A_116] : memref<32x64xi32, #tpu.memory_space<vmem>> -> memref<1x64xi32, #tpu.memory_space<vmem>>
          %dma_start3A_118 = tpu.memref_squeeze %dma_start3A_117 : memref<1x64xi32, #tpu.memory_space<vmem>> -> memref<64xi32, #tpu.memory_space<vmem>>
          %dma_start3A_119 = arith.constant 0 : i32
          %dma_start3A_120 = arith.constant 0 : i32
          %dma_start3A_121 = tpu.memref_slice %arg19[%dma_start3A_119, %dma_start3A_120] : memref<10240x128xf32, #tpu.memory_space<vmem_shared>> -> memref<10240x128xf32, #tpu.memory_space<vmem_shared>>
          tpu.enqueue_indirect_dma source(%arg14 : memref<64x128xf32, #tpu.memory_space<vmem>>) target(%dma_start3A_121 : memref<10240x128xf32, #tpu.memory_space<vmem_shared>>) offsets(%dma_start3A_118 : memref<64xi32, #tpu.memory_space<vmem>>) semaphore(%run_scoped3A : memref<!tpu.dma_semaphore, #tpu.memory_space<semaphore_mem>>) {add = true}
          %dma_wait3A_122 = arith.constant 0 : i32
          %dma_wait3A_123 = tpu.memref_slice %arg10[%add3A_102, %dma_wait3A_122] : memref<32x64xi32, #tpu.memory_space<vmem>> -> memref<1x64xi32, #tpu.memory_space<vmem>>
          %dma_wait3A_124 = tpu.memref_squeeze %dma_wait3A_123 : memref<1x64xi32, #tpu.memory_space<vmem>> -> memref<64xi32, #tpu.memory_space<vmem>>
          %dma_wait3A_125 = arith.constant 0 : i32
          %dma_wait3A_126 = arith.constant 0 : i32
          %dma_wait3A_127 = tpu.memref_slice %arg19[%dma_wait3A_125, %dma_wait3A_126] : memref<10240x128xf32, #tpu.memory_space<vmem_shared>> -> memref<10240x128xf32, #tpu.memory_space<vmem_shared>>
          tpu.wait_indirect_dma semaphore(%run_scoped3A : memref<!tpu.dma_semaphore, #tpu.memory_space<semaphore_mem>>) src(%arg14 : memref<64x128xf32, #tpu.memory_space<vmem>>) dst(%dma_wait3A_127 : memref<10240x128xf32, #tpu.memory_space<vmem_shared>>)
          tpu.yield
        }) : () -> ()
        %add3A_109 = arith.constant 3 : i32
        %add3A_110 = arith.addi %add3A_102, %add3A_109 : i32
        %lt3A_111 = arith.constant 32 : i32
        %lt3A_112 = arith.cmpi slt, %add3A_110, %lt3A_111 : i32
        %convert_element_type3A_113 = arith.extui %lt3A_112 : i1 to i32
        %cond3A_114 = arith.constant 0 : i32
        %cond3A_115 = arith.cmpi ne, %convert_element_type3A_113, %cond3A_114 : i32
        scf.if %cond3A_115 {
          %add3A_116 = arith.constant 3 : i32
          %add3A_117 = arith.addi %add3A_102, %add3A_116 : i32
          %dma_start3A_118 = arith.constant 0 : i32
          %dma_start3A_119 = tpu.memref_slice %arg9[%add3A_117, %dma_start3A_118] : memref<32x64xi32, #tpu.memory_space<vmem>> -> memref<1x64xi32, #tpu.memory_space<vmem>>
          %dma_start3A_120 = tpu.memref_squeeze %dma_start3A_119 : memref<1x64xi32, #tpu.memory_space<vmem>> -> memref<64xi32, #tpu.memory_space<vmem>>
          %dma_start3A_121 = arith.constant 0 : i32
          %dma_start3A_122 = arith.constant 0 : i32
          %dma_start3A_123 = tpu.memref_slice %arg2[%dma_start3A_121, %dma_start3A_122] : memref<20480x128xf32, #tpu.memory_space<hbm>> -> memref<20480x128xf32, #tpu.memory_space<hbm>>
          tpu.enqueue_indirect_dma source(%dma_start3A_123 : memref<20480x128xf32, #tpu.memory_space<hbm>>) target(%arg13 : memref<64x128xf32, #tpu.memory_space<vmem>>) offsets(%dma_start3A_120 : memref<64xi32, #tpu.memory_space<vmem>>) semaphore(%arg17 : memref<!tpu.dma_semaphore, #tpu.memory_space<semaphore_mem>>)
        } else {
        }
      }
      %scan3A_48 = arith.constant 8 : i32
    }
    %scan3A_5 = arith.constant 5 : i32
    %barrier3A_6 = arith.constant 0 : index
    tpu.barrier barrier_id(%barrier3A_6)
    %mul3A_7 = arith.constant 640 : i32
    %mul3A_8 = arith.muli %arg1, %mul3A_7 : i32
    %mul3A_9 = arith.constant 640 : i32
    %mul3A_10 = arith.muli %arg1, %mul3A_9 : i32
    "tpu.region"() ({
      %run_scoped3A = tpu.sem_alloc : memref<!tpu.dma_semaphore, #tpu.memory_space<semaphore_mem>>
      %dma_start3A = arith.constant 0 : i32
      %dma_start3A_11 = arith.constant 0 : i32
      %dma_start3A_12 = tpu.memref_slice %arg8[%arg0, %dma_start3A, %dma_start3A_11] : memref<2x10240x128xf32, #tpu.memory_space<hbm>> -> memref<1x10240x128xf32, #tpu.memory_space<hbm>>
      %dma_start3A_13 = tpu.memref_squeeze %dma_start3A_12 : memref<1x10240x128xf32, #tpu.memory_space<hbm>> -> memref<10240x128xf32, #tpu.memory_space<hbm>>
      %dma_start3A_14 = arith.constant 0 : i32
      %dma_start3A_15 = tpu.memref_slice %dma_start3A_13[%mul3A_10, %dma_start3A_14] : memref<10240x128xf32, #tpu.memory_space<hbm>> -> memref<640x128xf32, #tpu.memory_space<hbm>>
      %dma_start3A_16 = arith.constant 0 : i32
      %dma_start3A_17 = tpu.memref_slice %arg19[%mul3A_8, %dma_start3A_16] : memref<10240x128xf32, #tpu.memory_space<vmem_shared>> -> memref<640x128xf32, #tpu.memory_space<vmem_shared>>
      tpu.enqueue_dma source(%dma_start3A_17 : memref<640x128xf32, #tpu.memory_space<vmem_shared>>) target(%dma_start3A_15 : memref<640x128xf32, #tpu.memory_space<hbm>>) target_semaphore(%run_scoped3A : memref<!tpu.dma_semaphore, #tpu.memory_space<semaphore_mem>>)
      %dma_wait3A = arith.constant 0 : i32
      %dma_wait3A_18 = arith.constant 0 : i32
      %dma_wait3A_19 = tpu.memref_slice %arg8[%arg0, %dma_wait3A, %dma_wait3A_18] : memref<2x10240x128xf32, #tpu.memory_space<hbm>> -> memref<1x10240x128xf32, #tpu.memory_space<hbm>>
      %dma_wait3A_20 = tpu.memref_squeeze %dma_wait3A_19 : memref<1x10240x128xf32, #tpu.memory_space<hbm>> -> memref<10240x128xf32, #tpu.memory_space<hbm>>
      %dma_wait3A_21 = arith.constant 0 : i32
      %dma_wait3A_22 = tpu.memref_slice %dma_wait3A_20[%mul3A_10, %dma_wait3A_21] : memref<10240x128xf32, #tpu.memory_space<hbm>> -> memref<640x128xf32, #tpu.memory_space<hbm>>
      %dma_wait3A_23 = arith.constant 0 : i32
      %dma_wait3A_24 = tpu.memref_slice %arg19[%mul3A_8, %dma_wait3A_23] : memref<10240x128xf32, #tpu.memory_space<vmem_shared>> -> memref<640x128xf32, #tpu.memory_space<vmem_shared>>
      tpu.wait_dma2 semaphore(%run_scoped3A : memref<!tpu.dma_semaphore, #tpu.memory_space<semaphore_mem>>) src(%dma_wait3A_24 : memref<640x128xf32, #tpu.memory_space<vmem_shared>>) dst(%dma_wait3A_22 : memref<640x128xf32, #tpu.memory_space<hbm>>)
      tpu.yield
    }) : () -> ()
    return
  }
}

module attributes {stable_mosaic.version = 14 : i64} {
  func.func @_prep_body(%arg0: i32, %arg1: memref<512x1xf32, #tpu.memory_space<vmem>>, %arg2: memref<512x1xf32, #tpu.memory_space<vmem>>, %arg3: memref<512x128xf32, #tpu.memory_space<vmem>>, %arg4: memref<512x1xf32, #tpu.memory_space<vmem>>, %arg5: memref<2x512x128xf32, #tpu.memory_space<vmem>>) attributes {dimension_semantics = [#tpu.dimension_semantics<arbitrary>], iteration_bounds = array<i64: 20>, scalar_prefetch = 0 : i64, scratch_operands = 0 : i64, tpu.core_type = #tpu.core_type<tc>, window_params = [{transform_indices = @transform_0, window_bounds = array<i64: 512, 1>}, {transform_indices = @transform_1, window_bounds = array<i64: 512, 1>}, {transform_indices = @transform_2, window_bounds = array<i64: 512, 128>}, {transform_indices = @transform_3, window_bounds = array<i64: 512, 1>}, {transform_indices = @transform_4, window_bounds = array<i64: 2, 512, 128>}]} {
    %get3A = arith.constant 0 : index
    %get3A_0 = arith.constant 0 : index
    %get3A_1 = vector.load %arg1[%get3A, %get3A_0] : memref<512x1xf32, #tpu.memory_space<vmem>>, vector<512x1xf32>
    %get3A_2 = arith.constant 0 : index
    %get3A_3 = arith.constant 0 : index
    %get3A_4 = vector.load %arg2[%get3A_2, %get3A_3] : memref<512x1xf32, #tpu.memory_space<vmem>>, vector<512x1xf32>
    %add3A = arith.addf %get3A_1, %get3A_4 : vector<512x1xf32>
    %add3A_5 = arith.constant 1.000000e+00 : f32
    %add3A_6 = vector.broadcast %add3A_5 : f32 to vector<512x1xf32>
    %add3A_7 = arith.addf %add3A, %add3A_6 : vector<512x1xf32>
    %rsqrt3A = math.rsqrt %add3A_7 : vector<512x1xf32>
    %iota3A = tpu.iota {dimensions = array<i32: 0>} : vector<512x1xi32>
    %mul3A = arith.constant 512 : i32
    %mul3A_8 = arith.muli %arg0, %mul3A : i32
    %add3A_9 = vector.broadcast %mul3A_8 : i32 to vector<512x1xi32>
    %add3A_10 = arith.addi %iota3A, %add3A_9 : vector<512x1xi32>
    %swap3A = arith.constant 0 : index
    %swap3A_11 = arith.constant 0 : index
    %swap3A_12 = vector.load %arg4[%swap3A, %swap3A_11] : memref<512x1xf32, #tpu.memory_space<vmem>>, vector<512x1xf32>
    tpu.vector_store %arg4[%swap3A, %swap3A_11], %rsqrt3A {strides = array<i32>} : memref<512x1xf32, #tpu.memory_space<vmem>>, vector<512x1xf32>,
    %lt3A = arith.constant 10000 : i32
    %lt3A_13 = vector.broadcast %lt3A : i32 to vector<512x1xi32>
    %lt3A_14 = arith.cmpi slt, %add3A_10, %lt3A_13 : vector<512x1xi32>
    %get3A_15 = arith.constant 0 : index
    %get3A_16 = arith.constant 0 : index
    %get3A_17 = vector.load %arg3[%get3A_15, %get3A_16] : memref<512x128xf32, #tpu.memory_space<vmem>>, vector<512x128xf32>
    %mul3A_18 = vector.broadcast %rsqrt3A : vector<512x1xf32> to vector<512x128xf32>
    %mul3A_19 = arith.mulf %mul3A_18, %get3A_17 : vector<512x128xf32>
    %jit3A = arith.constant 0.000000e+00 : f32
    %broadcast_in_dim3A = vector.shape_cast %lt3A_14 : vector<512x1xi1> to vector<512x1xi1>
    %broadcast_in_dim3A_20 = vector.broadcast %broadcast_in_dim3A : vector<512x1xi1> to vector<512x128xi1>
    %broadcast_in_dim3A_21 = vector.broadcast %jit3A : f32 to vector<512x128xf32>
    %select_n3A = arith.select %broadcast_in_dim3A_20, %mul3A_19, %broadcast_in_dim3A_21 : vector<512x128xi1>, vector<512x128xf32>
    %swap3A_22 = arith.constant 0 : index
    %swap3A_23 = arith.constant 0 : index
    %swap3A_24 = arith.constant 0 : index
    %swap3A_25 = vector.load %arg5[%swap3A_22, %swap3A_23, %swap3A_24] : memref<2x512x128xf32, #tpu.memory_space<vmem>>, vector<1x512x128xf32>
    %swap3A_26 = vector.shape_cast %swap3A_25 : vector<1x512x128xf32> to vector<512x128xf32>
    %swap3A_27 = vector.shape_cast %select_n3A : vector<512x128xf32> to vector<1x512x128xf32>
    tpu.vector_store %arg5[%swap3A_22, %swap3A_23, %swap3A_24], %swap3A_27 {strides = array<i32>} : memref<2x512x128xf32, #tpu.memory_space<vmem>>, vector<1x512x128xf32>,
    %swap3A_28 = arith.constant 1 : index
    %swap3A_29 = arith.constant 0 : index
    %swap3A_30 = arith.constant 0 : index
    %swap3A_31 = vector.load %arg5[%swap3A_28, %swap3A_29, %swap3A_30] : memref<2x512x128xf32, #tpu.memory_space<vmem>>, vector<1x512x128xf32>
    %swap3A_32 = vector.shape_cast %swap3A_31 : vector<1x512x128xf32> to vector<512x128xf32>
    %swap3A_33 = vector.shape_cast %select_n3A : vector<512x128xf32> to vector<1x512x128xf32>
    tpu.vector_store %arg5[%swap3A_28, %swap3A_29, %swap3A_30], %swap3A_33 {strides = array<i32>} : memref<2x512x128xf32, #tpu.memory_space<vmem>>, vector<1x512x128xf32>,
    return
  }
  func.func @transform_0(%arg0: i32) -> (i32, i32) {
    %c0_i32 = arith.constant 0 : i32
    %c0_i32_0 = arith.constant 0 : i32
    return %arg0, %c0_i32 : i32, i32
  }
  func.func @transform_1(%arg0: i32) -> (i32, i32) {
    %c0_i32 = arith.constant 0 : i32
    %c0_i32_0 = arith.constant 0 : i32
    return %arg0, %c0_i32 : i32, i32
  }
  func.func @transform_2(%arg0: i32) -> (i32, i32) {
    %c0_i32 = arith.constant 0 : i32
    %c0_i32_0 = arith.constant 0 : i32
    return %arg0, %c0_i32 : i32, i32
  }
  func.func @transform_3(%arg0: i32) -> (i32, i32) {
    %c0_i32 = arith.constant 0 : i32
    %c0_i32_0 = arith.constant 0 : i32
    return %arg0, %c0_i32 : i32, i32
  }
  func.func @transform_4(%arg0: i32) -> (i32, i32, i32) {
    %c0_i32 = arith.constant 0 : i32
    %c0_i32_0 = arith.constant 0 : i32
    %c0_i32_1 = arith.constant 0 : i32
    return %c0_i32, %arg0, %c0_i32_0 : i32, i32, i32
  }
}

module attributes {stable_mosaic.version = 14 : i64} {
  func.func @_l1_body(%arg0: i32, %arg1: memref<2x512x128xf32, #tpu.memory_space<vmem>>, %arg2: memref<512x128xf32, #tpu.memory_space<vmem>>, %arg3: memref<512x1xf32, #tpu.memory_space<vmem>>, %arg4: memref<128x256xf32, #tpu.memory_space<vmem>>, %arg5: memref<1x256xf32, #tpu.memory_space<vmem>>, %arg6: memref<2x512x128xf32, #tpu.memory_space<vmem>>) attributes {dimension_semantics = [#tpu.dimension_semantics<arbitrary>], iteration_bounds = array<i64: 20>, scalar_prefetch = 0 : i64, scratch_operands = 0 : i64, tpu.core_type = #tpu.core_type<tc>, window_params = [{transform_indices = @transform_0, window_bounds = array<i64: 2, 512, 128>}, {transform_indices = @transform_1, window_bounds = array<i64: 512, 128>}, {transform_indices = @transform_2, window_bounds = array<i64: 512, 1>}, {pipeline_mode = #tpu.pipeline_mode<synchronous>, transform_indices = @transform_3, window_bounds = array<i64: 128, 256>}, {pipeline_mode = #tpu.pipeline_mode<synchronous>, transform_indices = @transform_4, window_bounds = array<i64: 1, 256>}, {transform_indices = @transform_5, window_bounds = array<i64: 2, 512, 128>}]} {
    %get3A = arith.constant 0 : index
    %get3A_0 = arith.constant 0 : index
    %get3A_1 = vector.load %arg3[%get3A, %get3A_0] : memref<512x1xf32, #tpu.memory_space<vmem>>, vector<512x1xf32>
    %get3A_2 = arith.constant 0 : index
    %get3A_3 = arith.constant 0 : index
    %get3A_4 = arith.constant 0 : index
    %get3A_5 = vector.load %arg1[%get3A_2, %get3A_3, %get3A_4] : memref<2x512x128xf32, #tpu.memory_space<vmem>>, vector<1x512x128xf32>
    %get3A_6 = vector.shape_cast %get3A_5 : vector<1x512x128xf32> to vector<512x128xf32>
    %get3A_7 = arith.constant 1 : index
    %get3A_8 = arith.constant 0 : index
    %get3A_9 = arith.constant 0 : index
    %get3A_10 = vector.load %arg1[%get3A_7, %get3A_8, %get3A_9] : memref<2x512x128xf32, #tpu.memory_space<vmem>>, vector<1x512x128xf32>
    %get3A_11 = vector.shape_cast %get3A_10 : vector<1x512x128xf32> to vector<512x128xf32>
    %add3A = arith.addf %get3A_6, %get3A_11 : vector<512x128xf32>
    %mul3A = vector.broadcast %get3A_1 : vector<512x1xf32> to vector<512x128xf32>
    %mul3A_12 = arith.mulf %mul3A, %add3A : vector<512x128xf32>
    %mul3A_13 = arith.mulf %get3A_1, %get3A_1 : vector<512x1xf32>
    %get3A_14 = arith.constant 0 : index
    %get3A_15 = arith.constant 0 : index
    %get3A_16 = vector.load %arg2[%get3A_14, %get3A_15] : memref<512x128xf32, #tpu.memory_space<vmem>>, vector<512x128xf32>
    %mul3A_17 = vector.broadcast %mul3A_13 : vector<512x1xf32> to vector<512x128xf32>
    %mul3A_18 = arith.mulf %mul3A_17, %get3A_16 : vector<512x128xf32>
    %add3A_19 = arith.addf %mul3A_12, %mul3A_18 : vector<512x128xf32>
    %get3A_20 = arith.constant 0 : index
    %get3A_21 = arith.constant 0 : index
    %get3A_22 = vector.load %arg4[%get3A_20, %get3A_21] : memref<128x256xf32, #tpu.memory_space<vmem>>, vector<128x256xf32>
    %dot_general3A = arith.constant dense<0.000000e+00> : vector<512x256xf32>
    %dot_general3A_23 = tpu.matmul %add3A_19, %get3A_22, %dot_general3A {dimension_numbers = #tpu.dot_dimension_numbers<[1], [0], [0], [1], [0, 0, 1, 1], [], []>, transpose_lhs_hint = false} : vector<512x128xf32>, vector<128x256xf32>, vector<512x256xf32> -> vector<512x256xf32>
    %get3A_24 = arith.constant 0 : index
    %get3A_25 = arith.constant 0 : index
    %get3A_26 = vector.load %arg5[%get3A_24, %get3A_25] : memref<1x256xf32, #tpu.memory_space<vmem>>, vector<1x256xf32>
    %add3A_27 = vector.broadcast %get3A_26 : vector<1x256xf32> to vector<512x256xf32>
    %add3A_28 = arith.addf %dot_general3A_23, %add3A_27 : vector<512x256xf32>
    %max3A = arith.constant 0.000000e+00 : f32
    %max3A_29 = vector.broadcast %max3A : f32 to vector<512x256xf32>
    %max3A_30 = arith.maximumf %add3A_28, %max3A_29 : vector<512x256xf32>
    %iota3A = tpu.iota {dimensions = array<i32: 0>} : vector<512x1xi32>
    %mul3A_31 = arith.constant 512 : i32
    %mul3A_32 = arith.muli %arg0, %mul3A_31 : i32
    %add3A_33 = vector.broadcast %mul3A_32 : i32 to vector<512x1xi32>
    %add3A_34 = arith.addi %iota3A, %add3A_33 : vector<512x1xi32>
    %lt3A = arith.constant 10000 : i32
    %lt3A_35 = vector.broadcast %lt3A : i32 to vector<512x1xi32>
    %lt3A_36 = arith.cmpi slt, %add3A_34, %lt3A_35 : vector<512x1xi32>
    %mul3A_37 = vector.broadcast %get3A_1 : vector<512x1xf32> to vector<512x256xf32>
    %mul3A_38 = arith.mulf %mul3A_37, %max3A_30 : vector<512x256xf32>
    %jit3A = arith.constant 0.000000e+00 : f32
    %broadcast_in_dim3A = vector.shape_cast %lt3A_36 : vector<512x1xi1> to vector<512x1xi1>
    %broadcast_in_dim3A_39 = vector.broadcast %broadcast_in_dim3A : vector<512x1xi1> to vector<512x256xi1>
    %broadcast_in_dim3A_40 = vector.broadcast %jit3A : f32 to vector<512x256xf32>
    %select_n3A = arith.select %broadcast_in_dim3A_39, %mul3A_38, %broadcast_in_dim3A_40 : vector<512x256xi1>, vector<512x256xf32>
    %slice3A = vector.extract_strided_slice %select_n3A {offsets = [0, 0], sizes = [512, 128], strides = [1, 1]} : vector<512x256xf32> to vector<512x128xf32>
    %swap3A = arith.constant 0 : index
    %swap3A_41 = arith.constant 0 : index
    %swap3A_42 = arith.constant 0 : index
    %swap3A_43 = vector.load %arg6[%swap3A, %swap3A_41, %swap3A_42] : memref<2x512x128xf32, #tpu.memory_space<vmem>>, vector<1x512x128xf32>
    %swap3A_44 = vector.shape_cast %swap3A_43 : vector<1x512x128xf32> to vector<512x128xf32>
    %swap3A_45 = vector.shape_cast %slice3A : vector<512x128xf32> to vector<1x512x128xf32>
    tpu.vector_store %arg6[%swap3A, %swap3A_41, %swap3A_42], %swap3A_45 {strides = array<i32>} : memref<2x512x128xf32, #tpu.memory_space<vmem>>, vector<1x512x128xf32>,
    %slice3A_46 = vector.extract_strided_slice %select_n3A {offsets = [0, 128], sizes = [512, 128], strides = [1, 1]} : vector<512x256xf32> to vector<512x128xf32>
    %swap3A_47 = arith.constant 1 : index
    %swap3A_48 = arith.constant 0 : index
    %swap3A_49 = arith.constant 0 : index
    %swap3A_50 = vector.load %arg6[%swap3A_47, %swap3A_48, %swap3A_49] : memref<2x512x128xf32, #tpu.memory_space<vmem>>, vector<1x512x128xf32>
    %swap3A_51 = vector.shape_cast %swap3A_50 : vector<1x512x128xf32> to vector<512x128xf32>
    %swap3A_52 = vector.shape_cast %slice3A_46 : vector<512x128xf32> to vector<1x512x128xf32>
    tpu.vector_store %arg6[%swap3A_47, %swap3A_48, %swap3A_49], %swap3A_52 {strides = array<i32>} : memref<2x512x128xf32, #tpu.memory_space<vmem>>, vector<1x512x128xf32>,
    return
  }
  func.func @transform_0(%arg0: i32) -> (i32, i32, i32) {
    %c0_i32 = arith.constant 0 : i32
    %c0_i32_0 = arith.constant 0 : i32
    %c0_i32_1 = arith.constant 0 : i32
    return %c0_i32, %arg0, %c0_i32_0 : i32, i32, i32
  }
  func.func @transform_1(%arg0: i32) -> (i32, i32) {
    %c0_i32 = arith.constant 0 : i32
    %c0_i32_0 = arith.constant 0 : i32
    return %arg0, %c0_i32 : i32, i32
  }
  func.func @transform_2(%arg0: i32) -> (i32, i32) {
    %c0_i32 = arith.constant 0 : i32
    %c0_i32_0 = arith.constant 0 : i32
    return %arg0, %c0_i32 : i32, i32
  }
  func.func @transform_3(%arg0: i32) -> (i32, i32) {
    %c0_i32 = arith.constant 0 : i32
    %c0_i32_0 = arith.constant 0 : i32
    %c0_i32_1 = arith.constant 0 : i32
    return %c0_i32, %c0_i32_0 : i32, i32
  }
  func.func @transform_4(%arg0: i32) -> (i32, i32) {
    %c0_i32 = arith.constant 0 : i32
    %c0_i32_0 = arith.constant 0 : i32
    %c0_i32_1 = arith.constant 0 : i32
    return %c0_i32, %c0_i32_0 : i32, i32
  }
  func.func @transform_5(%arg0: i32) -> (i32, i32, i32) {
    %c0_i32 = arith.constant 0 : i32
    %c0_i32_0 = arith.constant 0 : i32
    %c0_i32_1 = arith.constant 0 : i32
    return %c0_i32, %arg0, %c0_i32_0 : i32, i32, i32
  }
}

module attributes {stable_mosaic.version = 14 : i64} {
  func.func @_l2_body(%arg0: i32, %arg1: memref<2x512x128xf32, #tpu.memory_space<vmem>>, %arg2: memref<2x512x128xf32, #tpu.memory_space<vmem>>, %arg3: memref<512x1xf32, #tpu.memory_space<vmem>>, %arg4: memref<128x256xf32, #tpu.memory_space<vmem>>, %arg5: memref<128x256xf32, #tpu.memory_space<vmem>>, %arg6: memref<1x256xf32, #tpu.memory_space<vmem>>, %arg7: memref<2x512x128xf32, #tpu.memory_space<vmem>>) attributes {dimension_semantics = [#tpu.dimension_semantics<arbitrary>], iteration_bounds = array<i64: 20>, scalar_prefetch = 0 : i64, scratch_operands = 0 : i64, tpu.core_type = #tpu.core_type<tc>, window_params = [{transform_indices = @transform_0, window_bounds = array<i64: 2, 512, 128>}, {transform_indices = @transform_1, window_bounds = array<i64: 2, 512, 128>}, {transform_indices = @transform_2, window_bounds = array<i64: 512, 1>}, {pipeline_mode = #tpu.pipeline_mode<synchronous>, transform_indices = @transform_3, window_bounds = array<i64: 128, 256>}, {pipeline_mode = #tpu.pipeline_mode<synchronous>, transform_indices = @transform_4, window_bounds = array<i64: 128, 256>}, {pipeline_mode = #tpu.pipeline_mode<synchronous>, transform_indices = @transform_5, window_bounds = array<i64: 1, 256>}, {transform_indices = @transform_6, window_bounds = array<i64: 2, 512, 128>}]} {
    %get3A = arith.constant 0 : index
    %get3A_0 = arith.constant 0 : index
    %get3A_1 = vector.load %arg3[%get3A, %get3A_0] : memref<512x1xf32, #tpu.memory_space<vmem>>, vector<512x1xf32>
    %get3A_2 = arith.constant 0 : index
    %get3A_3 = arith.constant 0 : index
    %get3A_4 = arith.constant 0 : index
    %get3A_5 = vector.load %arg1[%get3A_2, %get3A_3, %get3A_4] : memref<2x512x128xf32, #tpu.memory_space<vmem>>, vector<1x512x128xf32>
    %get3A_6 = vector.shape_cast %get3A_5 : vector<1x512x128xf32> to vector<512x128xf32>
    %get3A_7 = arith.constant 0 : index
    %get3A_8 = arith.constant 0 : index
    %get3A_9 = arith.constant 0 : index
    %get3A_10 = vector.load %arg2[%get3A_7, %get3A_8, %get3A_9] : memref<2x512x128xf32, #tpu.memory_space<vmem>>, vector<1x512x128xf32>
    %get3A_11 = vector.shape_cast %get3A_10 : vector<1x512x128xf32> to vector<512x128xf32>
    %add3A = arith.addf %get3A_6, %get3A_11 : vector<512x128xf32>
    %mul3A = vector.broadcast %get3A_1 : vector<512x1xf32> to vector<512x128xf32>
    %mul3A_12 = arith.mulf %mul3A, %add3A : vector<512x128xf32>
    %get3A_13 = arith.constant 1 : index
    %get3A_14 = arith.constant 0 : index
    %get3A_15 = arith.constant 0 : index
    %get3A_16 = vector.load %arg1[%get3A_13, %get3A_14, %get3A_15] : memref<2x512x128xf32, #tpu.memory_space<vmem>>, vector<1x512x128xf32>
    %get3A_17 = vector.shape_cast %get3A_16 : vector<1x512x128xf32> to vector<512x128xf32>
    %get3A_18 = arith.constant 1 : index
    %get3A_19 = arith.constant 0 : index
    %get3A_20 = arith.constant 0 : index
    %get3A_21 = vector.load %arg2[%get3A_18, %get3A_19, %get3A_20] : memref<2x512x128xf32, #tpu.memory_space<vmem>>, vector<1x512x128xf32>
    %get3A_22 = vector.shape_cast %get3A_21 : vector<1x512x128xf32> to vector<512x128xf32>
    %add3A_23 = arith.addf %get3A_17, %get3A_22 : vector<512x128xf32>
    %mul3A_24 = vector.broadcast %get3A_1 : vector<512x1xf32> to vector<512x128xf32>
    %mul3A_25 = arith.mulf %mul3A_24, %add3A_23 : vector<512x128xf32>
    %get3A_26 = arith.constant 0 : index
    %get3A_27 = arith.constant 0 : index
    %get3A_28 = vector.load %arg4[%get3A_26, %get3A_27] : memref<128x256xf32, #tpu.memory_space<vmem>>, vector<128x256xf32>
    %dot_general3A = arith.constant dense<0.000000e+00> : vector<512x256xf32>
    %dot_general3A_29 = tpu.matmul %mul3A_12, %get3A_28, %dot_general3A {dimension_numbers = #tpu.dot_dimension_numbers<[1], [0], [0], [1], [0, 0, 1, 1], [], []>, transpose_lhs_hint = false} : vector<512x128xf32>, vector<128x256xf32>, vector<512x256xf32> -> vector<512x256xf32>
    %get3A_30 = arith.constant 0 : index
    %get3A_31 = arith.constant 0 : index
    %get3A_32 = vector.load %arg5[%get3A_30, %get3A_31] : memref<128x256xf32, #tpu.memory_space<vmem>>, vector<128x256xf32>
    %dot_general3A_33 = arith.constant dense<0.000000e+00> : vector<512x256xf32>
    %dot_general3A_34 = tpu.matmul %mul3A_25, %get3A_32, %dot_general3A_33 {dimension_numbers = #tpu.dot_dimension_numbers<[1], [0], [0], [1], [0, 0, 1, 1], [], []>, transpose_lhs_hint = false} : vector<512x128xf32>, vector<128x256xf32>, vector<512x256xf32> -> vector<512x256xf32>
    %add3A_35 = arith.addf %dot_general3A_29, %dot_general3A_34 : vector<512x256xf32>
    %get3A_36 = arith.constant 0 : index
    %get3A_37 = arith.constant 0 : index
    %get3A_38 = vector.load %arg6[%get3A_36, %get3A_37] : memref<1x256xf32, #tpu.memory_space<vmem>>, vector<1x256xf32>
    %add3A_39 = vector.broadcast %get3A_38 : vector<1x256xf32> to vector<512x256xf32>
    %add3A_40 = arith.addf %add3A_35, %add3A_39 : vector<512x256xf32>
    %max3A = arith.constant 0.000000e+00 : f32
    %max3A_41 = vector.broadcast %max3A : f32 to vector<512x256xf32>
    %max3A_42 = arith.maximumf %add3A_40, %max3A_41 : vector<512x256xf32>
    %slice3A = vector.extract_strided_slice %max3A_42 {offsets = [0, 0], sizes = [512, 128], strides = [1, 1]} : vector<512x256xf32> to vector<512x128xf32>
    %swap3A = arith.constant 0 : index
    %swap3A_43 = arith.constant 0 : index
    %swap3A_44 = arith.constant 0 : index
    %swap3A_45 = vector.load %arg7[%swap3A, %swap3A_43, %swap3A_44] : memref<2x512x128xf32, #tpu.memory_space<vmem>>, vector<1x512x128xf32>
    %swap3A_46 = vector.shape_cast %swap3A_45 : vector<1x512x128xf32> to vector<512x128xf32>
    %swap3A_47 = vector.shape_cast %slice3A : vector<512x128xf32> to vector<1x512x128xf32>
    tpu.vector_store %arg7[%swap3A, %swap3A_43, %swap3A_44], %swap3A_47 {strides = array<i32>} : memref<2x512x128xf32, #tpu.memory_space<vmem>>, vector<1x512x128xf32>,
    %slice3A_48 = vector.extract_strided_slice %max3A_42 {offsets = [0, 128], sizes = [512, 128], strides = [1, 1]} : vector<512x256xf32> to vector<512x128xf32>
    %swap3A_49 = arith.constant 1 : index
    %swap3A_50 = arith.constant 0 : index
    %swap3A_51 = arith.constant 0 : index
    %swap3A_52 = vector.load %arg7[%swap3A_49, %swap3A_50, %swap3A_51] : memref<2x512x128xf32, #tpu.memory_space<vmem>>, vector<1x512x128xf32>
    %swap3A_53 = vector.shape_cast %swap3A_52 : vector<1x512x128xf32> to vector<512x128xf32>
    %swap3A_54 = vector.shape_cast %slice3A_48 : vector<512x128xf32> to vector<1x512x128xf32>
    tpu.vector_store %arg7[%swap3A_49, %swap3A_50, %swap3A_51], %swap3A_54 {strides = array<i32>} : memref<2x512x128xf32, #tpu.memory_space<vmem>>, vector<1x512x128xf32>,
    return
  }
  func.func @transform_0(%arg0: i32) -> (i32, i32, i32) {
    %c0_i32 = arith.constant 0 : i32
    %c0_i32_0 = arith.constant 0 : i32
    %c0_i32_1 = arith.constant 0 : i32
    return %c0_i32, %arg0, %c0_i32_0 : i32, i32, i32
  }
  func.func @transform_1(%arg0: i32) -> (i32, i32, i32) {
    %c0_i32 = arith.constant 0 : i32
    %c0_i32_0 = arith.constant 0 : i32
    %c0_i32_1 = arith.constant 0 : i32
    return %c0_i32, %arg0, %c0_i32_0 : i32, i32, i32
  }
  func.func @transform_2(%arg0: i32) -> (i32, i32) {
    %c0_i32 = arith.constant 0 : i32
    %c0_i32_0 = arith.constant 0 : i32
    return %arg0, %c0_i32 : i32, i32
  }
  func.func @transform_3(%arg0: i32) -> (i32, i32) {
    %c0_i32 = arith.constant 0 : i32
    %c0_i32_0 = arith.constant 0 : i32
    %c0_i32_1 = arith.constant 0 : i32
    return %c0_i32, %c0_i32_0 : i32, i32
  }
  func.func @transform_4(%arg0: i32) -> (i32, i32) {
    %c0_i32 = arith.constant 0 : i32
    %c0_i32_0 = arith.constant 0 : i32
    %c0_i32_1 = arith.constant 0 : i32
    return %c0_i32, %c0_i32_0 : i32, i32
  }
  func.func @transform_5(%arg0: i32) -> (i32, i32) {
    %c0_i32 = arith.constant 0 : i32
    %c0_i32_0 = arith.constant 0 : i32
    %c0_i32_1 = arith.constant 0 : i32
    return %c0_i32, %c0_i32_0 : i32, i32
  }
  func.func @transform_6(%arg0: i32) -> (i32, i32, i32) {
    %c0_i32 = arith.constant 0 : i32
    %c0_i32_0 = arith.constant 0 : i32
    %c0_i32_1 = arith.constant 0 : i32
    return %c0_i32, %arg0, %c0_i32_0 : i32, i32, i32
  }
}

module attributes {stable_mosaic.version = 14 : i64} {
  func.func @_ph_body(%arg0: i32, %arg1: memref<512x128xf32, #tpu.memory_space<vmem>>, %arg2: memref<512x128xf32, #tpu.memory_space<vmem>>, %arg3: memref<1x1x512xi32, #tpu.memory_space<vmem>>, %arg4: memref<128x128xf32, #tpu.memory_space<vmem>>, %arg5: memref<128x128xf32, #tpu.memory_space<vmem>>, %arg6: memref<1x128xf32, #tpu.memory_space<vmem>>, %arg7: memref<128x128xf32, #tpu.memory_space<vmem>>, %arg8: memref<128x128xf32, #tpu.memory_space<vmem>>, %arg9: memref<1x128xf32, #tpu.memory_space<vmem>>, %arg10: memref<64x128xf32, #tpu.memory_space<vmem>>, %arg11: memref<64x128xf32, #tpu.memory_space<vmem>>, %arg12: memref<64x128xf32, #tpu.memory_space<vmem>>, %arg13: memref<64x128xf32, #tpu.memory_space<vmem>>, %arg14: memref<64x1xf32, #tpu.memory_space<vmem>>) attributes {dimension_semantics = [#tpu.dimension_semantics<arbitrary>], iteration_bounds = array<i64: 20>, scalar_prefetch = 0 : i64, scratch_operands = 3 : i64, tpu.core_type = #tpu.core_type<tc>, window_params = [{transform_indices = @transform_0, window_bounds = array<i64: 512, 128>}, {transform_indices = @transform_1, window_bounds = array<i64: 512, 128>}, {transform_indices = @transform_2, window_bounds = array<i64: 1, 1, 512>}, {pipeline_mode = #tpu.pipeline_mode<synchronous>, transform_indices = @transform_3, window_bounds = array<i64: 128, 128>}, {pipeline_mode = #tpu.pipeline_mode<synchronous>, transform_indices = @transform_4, window_bounds = array<i64: 128, 128>}, {pipeline_mode = #tpu.pipeline_mode<synchronous>, transform_indices = @transform_5, window_bounds = array<i64: 1, 128>}, {pipeline_mode = #tpu.pipeline_mode<synchronous>, transform_indices = @transform_6, window_bounds = array<i64: 128, 128>}, {pipeline_mode = #tpu.pipeline_mode<synchronous>, transform_indices = @transform_7, window_bounds = array<i64: 128, 128>}, {pipeline_mode = #tpu.pipeline_mode<synchronous>, transform_indices = @transform_8, window_bounds = array<i64: 1, 128>}, {pipeline_mode = #tpu.pipeline_mode<synchronous>, transform_indices = @transform_9, window_bounds = array<i64: 64, 128>}, {pipeline_mode = #tpu.pipeline_mode<synchronous>, transform_indices = @transform_10, window_bounds = array<i64: 64, 128>}]} {
    %eq3A = arith.constant 0 : i32
    %eq3A_0 = arith.cmpi eq, %arg0, %eq3A : i32
    %convert_element_type3A = arith.extui %eq3A_0 : i1 to i32
    %cond3A = arith.constant 0 : i32
    %cond3A_1 = arith.cmpi ne, %convert_element_type3A, %cond3A : i32
    scf.if %cond3A_1 {
      %broadcast_in_dim3A_44 = arith.constant 0.000000e+00 : f32
      %broadcast_in_dim3A_45 = vector.broadcast %broadcast_in_dim3A_44 : f32 to vector<64x128xf32>
      %swap3A_46 = arith.constant 0 : index
      %swap3A_47 = arith.constant 0 : index
      %swap3A_48 = vector.load %arg12[%swap3A_46, %swap3A_47] : memref<64x128xf32, #tpu.memory_space<vmem>>, vector<64x128xf32>
      tpu.vector_store %arg12[%swap3A_46, %swap3A_47], %broadcast_in_dim3A_45 {strides = array<i32>} : memref<64x128xf32, #tpu.memory_space<vmem>>, vector<64x128xf32>,
      %broadcast_in_dim3A_49 = arith.constant 0.000000e+00 : f32
      %broadcast_in_dim3A_50 = vector.broadcast %broadcast_in_dim3A_49 : f32 to vector<64x128xf32>
      %swap3A_51 = arith.constant 0 : index
      %swap3A_52 = arith.constant 0 : index
      %swap3A_53 = vector.load %arg13[%swap3A_51, %swap3A_52] : memref<64x128xf32, #tpu.memory_space<vmem>>, vector<64x128xf32>
      tpu.vector_store %arg13[%swap3A_51, %swap3A_52], %broadcast_in_dim3A_50 {strides = array<i32>} : memref<64x128xf32, #tpu.memory_space<vmem>>, vector<64x128xf32>,
      %broadcast_in_dim3A_54 = arith.constant 0.000000e+00 : f32
      %broadcast_in_dim3A_55 = vector.broadcast %broadcast_in_dim3A_54 : f32 to vector<64x1xf32>
      %swap3A_56 = arith.constant 0 : index
      %swap3A_57 = arith.constant 0 : index
      %swap3A_58 = vector.load %arg14[%swap3A_56, %swap3A_57] : memref<64x1xf32, #tpu.memory_space<vmem>>, vector<64x1xf32>
      tpu.vector_store %arg14[%swap3A_56, %swap3A_57], %broadcast_in_dim3A_55 {strides = array<i32>} : memref<64x1xf32, #tpu.memory_space<vmem>>, vector<64x1xf32>,
    } else {
    }
    %get3A = arith.constant 0 : index
    %get3A_2 = arith.constant 0 : index
    %get3A_3 = arith.constant 0 : index
    %get3A_4 = vector.load %arg3[%get3A, %get3A_2, %get3A_3] : memref<1x1x512xi32, #tpu.memory_space<vmem>>, vector<1x1x512xi32>
    %get3A_5 = vector.shape_cast %get3A_4 : vector<1x1x512xi32> to vector<1x512xi32>
    %iota3A = tpu.iota {dimensions = array<i32: 0>} : vector<64x512xi32>
    %eq3A_6 = vector.broadcast %get3A_5 : vector<1x512xi32> to vector<64x512xi32>
    %eq3A_7 = arith.cmpi eq, %eq3A_6, %iota3A : vector<64x512xi32>
    %convert_element_type3A_8 = arith.extui %eq3A_7 : vector<64x512xi1> to vector<64x512xi32>
    %convert_element_type3A_9 = arith.sitofp %convert_element_type3A_8 : vector<64x512xi32> to vector<64x512xf32>
    %get3A_10 = arith.constant 0 : index
    %get3A_11 = arith.constant 0 : index
    %get3A_12 = vector.load %arg12[%get3A_10, %get3A_11] : memref<64x128xf32, #tpu.memory_space<vmem>>, vector<64x128xf32>
    %get3A_13 = arith.constant 0 : index
    %get3A_14 = arith.constant 0 : index
    %get3A_15 = vector.load %arg1[%get3A_13, %get3A_14] : memref<512x128xf32, #tpu.memory_space<vmem>>, vector<512x128xf32>
    %dot_general3A = arith.constant dense<0.000000e+00> : vector<64x128xf32>
    %dot_general3A_16 = tpu.matmul %convert_element_type3A_9, %get3A_15, %dot_general3A {dimension_numbers = #tpu.dot_dimension_numbers<[1], [0], [0], [1], [0, 0, 1, 1], [], []>, transpose_lhs_hint = false} : vector<64x512xf32>, vector<512x128xf32>, vector<64x128xf32> -> vector<64x128xf32>
    %add3A = arith.addf %get3A_12, %dot_general3A_16 : vector<64x128xf32>
    %swap3A = arith.constant 0 : index
    %swap3A_17 = arith.constant 0 : index
    %swap3A_18 = vector.load %arg12[%swap3A, %swap3A_17] : memref<64x128xf32, #tpu.memory_space<vmem>>, vector<64x128xf32>
    tpu.vector_store %arg12[%swap3A, %swap3A_17], %add3A {strides = array<i32>} : memref<64x128xf32, #tpu.memory_space<vmem>>, vector<64x128xf32>,
    %get3A_19 = arith.constant 0 : index
    %get3A_20 = arith.constant 0 : index
    %get3A_21 = vector.load %arg13[%get3A_19, %get3A_20] : memref<64x128xf32, #tpu.memory_space<vmem>>, vector<64x128xf32>
    %get3A_22 = arith.constant 0 : index
    %get3A_23 = arith.constant 0 : index
    %get3A_24 = vector.load %arg2[%get3A_22, %get3A_23] : memref<512x128xf32, #tpu.memory_space<vmem>>, vector<512x128xf32>
    %dot_general3A_25 = arith.constant dense<0.000000e+00> : vector<64x128xf32>
    %dot_general3A_26 = tpu.matmul %convert_element_type3A_9, %get3A_24, %dot_general3A_25 {dimension_numbers = #tpu.dot_dimension_numbers<[1], [0], [0], [1], [0, 0, 1, 1], [], []>, transpose_lhs_hint = false} : vector<64x512xf32>, vector<512x128xf32>, vector<64x128xf32> -> vector<64x128xf32>
    %add3A_27 = arith.addf %get3A_21, %dot_general3A_26 : vector<64x128xf32>
    %swap3A_28 = arith.constant 0 : index
    %swap3A_29 = arith.constant 0 : index
    %swap3A_30 = vector.load %arg13[%swap3A_28, %swap3A_29] : memref<64x128xf32, #tpu.memory_space<vmem>>, vector<64x128xf32>
    tpu.vector_store %arg13[%swap3A_28, %swap3A_29], %add3A_27 {strides = array<i32>} : memref<64x128xf32, #tpu.memory_space<vmem>>, vector<64x128xf32>,
    %get3A_31 = arith.constant 0 : index
    %get3A_32 = arith.constant 0 : index
    %get3A_33 = vector.load %arg14[%get3A_31, %get3A_32] : memref<64x1xf32, #tpu.memory_space<vmem>>, vector<64x1xf32>
    %reduce_sum3A = arith.constant dense<0.000000e+00> : vector<64xf32>
    %reduce_sum3A_34 = vector.multi_reduction <add>, %convert_element_type3A_9, %reduce_sum3A [1] : vector<64x512xf32> to vector<64xf32>
    %broadcast_in_dim3A = vector.shape_cast %reduce_sum3A_34 : vector<64xf32> to vector<64x1xf32>
    %add3A_35 = arith.addf %get3A_33, %broadcast_in_dim3A : vector<64x1xf32>
    %swap3A_36 = arith.constant 0 : index
    %swap3A_37 = arith.constant 0 : index
    %swap3A_38 = vector.load %arg14[%swap3A_36, %swap3A_37] : memref<64x1xf32, #tpu.memory_space<vmem>>, vector<64x1xf32>
    tpu.vector_store %arg14[%swap3A_36, %swap3A_37], %add3A_35 {strides = array<i32>} : memref<64x1xf32, #tpu.memory_space<vmem>>, vector<64x1xf32>,
    %eq3A_39 = arith.constant 19 : i32
    %eq3A_40 = arith.cmpi eq, %arg0, %eq3A_39 : i32
    %convert_element_type3A_41 = arith.extui %eq3A_40 : i1 to i32
    %cond3A_42 = arith.constant 0 : i32
    %cond3A_43 = arith.cmpi ne, %convert_element_type3A_41, %cond3A_42 : i32
    scf.if %cond3A_43 {
      %get3A_44 = arith.constant 0 : index
      %get3A_45 = arith.constant 0 : index
      %get3A_46 = vector.load %arg14[%get3A_44, %get3A_45] : memref<64x1xf32, #tpu.memory_space<vmem>>, vector<64x1xf32>
      %max3A = arith.constant 1.000000e+00 : f32
      %max3A_47 = vector.broadcast %max3A : f32 to vector<64x1xf32>
      %max3A_48 = arith.maximumf %get3A_46, %max3A_47 : vector<64x1xf32>
      %div3A = arith.constant 1.000000e+00 : f32
      %div3A_49 = vector.broadcast %div3A : f32 to vector<64x1xf32>
      %div3A_50 = arith.divf %div3A_49, %max3A_48 : vector<64x1xf32>
      %get3A_51 = arith.constant 0 : index
      %get3A_52 = arith.constant 0 : index
      %get3A_53 = vector.load %arg12[%get3A_51, %get3A_52] : memref<64x128xf32, #tpu.memory_space<vmem>>, vector<64x128xf32>
      %mul3A = vector.broadcast %div3A_50 : vector<64x1xf32> to vector<64x128xf32>
      %mul3A_54 = arith.mulf %get3A_53, %mul3A : vector<64x128xf32>
      %get3A_55 = arith.constant 0 : index
      %get3A_56 = arith.constant 0 : index
      %get3A_57 = vector.load %arg13[%get3A_55, %get3A_56] : memref<64x128xf32, #tpu.memory_space<vmem>>, vector<64x128xf32>
      %mul3A_58 = vector.broadcast %div3A_50 : vector<64x1xf32> to vector<64x128xf32>
      %mul3A_59 = arith.mulf %get3A_57, %mul3A_58 : vector<64x128xf32>
      %get3A_60 = arith.constant 0 : index
      %get3A_61 = arith.constant 0 : index
      %get3A_62 = vector.load %arg4[%get3A_60, %get3A_61] : memref<128x128xf32, #tpu.memory_space<vmem>>, vector<128x128xf32>
      %dot_general3A_63 = arith.constant dense<0.000000e+00> : vector<64x128xf32>
      %dot_general3A_64 = tpu.matmul %mul3A_54, %get3A_62, %dot_general3A_63 {dimension_numbers = #tpu.dot_dimension_numbers<[1], [0], [0], [1], [0, 0, 1, 1], [], []>, transpose_lhs_hint = false} : vector<64x128xf32>, vector<128x128xf32>, vector<64x128xf32> -> vector<64x128xf32>
      %get3A_65 = arith.constant 0 : index
      %get3A_66 = arith.constant 0 : index
      %get3A_67 = vector.load %arg5[%get3A_65, %get3A_66] : memref<128x128xf32, #tpu.memory_space<vmem>>, vector<128x128xf32>
      %dot_general3A_68 = arith.constant dense<0.000000e+00> : vector<64x128xf32>
      %dot_general3A_69 = tpu.matmul %mul3A_59, %get3A_67, %dot_general3A_68 {dimension_numbers = #tpu.dot_dimension_numbers<[1], [0], [0], [1], [0, 0, 1, 1], [], []>, transpose_lhs_hint = false} : vector<64x128xf32>, vector<128x128xf32>, vector<64x128xf32> -> vector<64x128xf32>
      %add3A_70 = arith.addf %dot_general3A_64, %dot_general3A_69 : vector<64x128xf32>
      %get3A_71 = arith.constant 0 : index
      %get3A_72 = arith.constant 0 : index
      %get3A_73 = vector.load %arg6[%get3A_71, %get3A_72] : memref<1x128xf32, #tpu.memory_space<vmem>>, vector<1x128xf32>
      %add3A_74 = vector.broadcast %get3A_73 : vector<1x128xf32> to vector<64x128xf32>
      %add3A_75 = arith.addf %add3A_70, %add3A_74 : vector<64x128xf32>
      %swap3A_76 = arith.constant 0 : index
      %swap3A_77 = arith.constant 0 : index
      %swap3A_78 = vector.load %arg10[%swap3A_76, %swap3A_77] : memref<64x128xf32, #tpu.memory_space<vmem>>, vector<64x128xf32>
      tpu.vector_store %arg10[%swap3A_76, %swap3A_77], %add3A_75 {strides = array<i32>} : memref<64x128xf32, #tpu.memory_space<vmem>>, vector<64x128xf32>,
      %get3A_79 = arith.constant 0 : index
      %get3A_80 = arith.constant 0 : index
      %get3A_81 = vector.load %arg7[%get3A_79, %get3A_80] : memref<128x128xf32, #tpu.memory_space<vmem>>, vector<128x128xf32>
      %dot_general3A_82 = arith.constant dense<0.000000e+00> : vector<64x128xf32>
      %dot_general3A_83 = tpu.matmul %mul3A_54, %get3A_81, %dot_general3A_82 {dimension_numbers = #tpu.dot_dimension_numbers<[1], [0], [0], [1], [0, 0, 1, 1], [], []>, transpose_lhs_hint = false} : vector<64x128xf32>, vector<128x128xf32>, vector<64x128xf32> -> vector<64x128xf32>
      %get3A_84 = arith.constant 0 : index
      %get3A_85 = arith.constant 0 : index
      %get3A_86 = vector.load %arg8[%get3A_84, %get3A_85] : memref<128x128xf32, #tpu.memory_space<vmem>>, vector<128x128xf32>
      %dot_general3A_87 = arith.constant dense<0.000000e+00> : vector<64x128xf32>
      %dot_general3A_88 = tpu.matmul %mul3A_59, %get3A_86, %dot_general3A_87 {dimension_numbers = #tpu.dot_dimension_numbers<[1], [0], [0], [1], [0, 0, 1, 1], [], []>, transpose_lhs_hint = false} : vector<64x128xf32>, vector<128x128xf32>, vector<64x128xf32> -> vector<64x128xf32>
      %add3A_89 = arith.addf %dot_general3A_83, %dot_general3A_88 : vector<64x128xf32>
      %get3A_90 = arith.constant 0 : index
      %get3A_91 = arith.constant 0 : index
      %get3A_92 = vector.load %arg9[%get3A_90, %get3A_91] : memref<1x128xf32, #tpu.memory_space<vmem>>, vector<1x128xf32>
      %add3A_93 = vector.broadcast %get3A_92 : vector<1x128xf32> to vector<64x128xf32>
      %add3A_94 = arith.addf %add3A_89, %add3A_93 : vector<64x128xf32>
      %swap3A_95 = arith.constant 0 : index
      %swap3A_96 = arith.constant 0 : index
      %swap3A_97 = vector.load %arg11[%swap3A_95, %swap3A_96] : memref<64x128xf32, #tpu.memory_space<vmem>>, vector<64x128xf32>
      tpu.vector_store %arg11[%swap3A_95, %swap3A_96], %add3A_94 {strides = array<i32>} : memref<64x128xf32, #tpu.memory_space<vmem>>, vector<64x128xf32>,
    } else {
    }
    return
  }
  func.func @transform_0(%arg0: i32) -> (i32, i32) {
    %c0_i32 = arith.constant 0 : i32
    %c0_i32_0 = arith.constant 0 : i32
    return %arg0, %c0_i32 : i32, i32
  }
  func.func @transform_1(%arg0: i32) -> (i32, i32) {
    %c0_i32 = arith.constant 0 : i32
    %c0_i32_0 = arith.constant 0 : i32
    return %arg0, %c0_i32 : i32, i32
  }
  func.func @transform_2(%arg0: i32) -> (i32, i32, i32) {
    %c0_i32 = arith.constant 0 : i32
    %c0_i32_0 = arith.constant 0 : i32
    %c0_i32_1 = arith.constant 0 : i32
    return %arg0, %c0_i32, %c0_i32_0 : i32, i32, i32
  }
  func.func @transform_3(%arg0: i32) -> (i32, i32) {
    %c0_i32 = arith.constant 0 : i32
    %c0_i32_0 = arith.constant 0 : i32
    %c0_i32_1 = arith.constant 0 : i32
    return %c0_i32, %c0_i32_0 : i32, i32
  }
  func.func @transform_4(%arg0: i32) -> (i32, i32) {
    %c0_i32 = arith.constant 0 : i32
    %c0_i32_0 = arith.constant 0 : i32
    %c0_i32_1 = arith.constant 0 : i32
    return %c0_i32, %c0_i32_0 : i32, i32
  }
  func.func @transform_5(%arg0: i32) -> (i32, i32) {
    %c0_i32 = arith.constant 0 : i32
    %c0_i32_0 = arith.constant 0 : i32
    %c0_i32_1 = arith.constant 0 : i32
    return %c0_i32, %c0_i32_0 : i32, i32
  }
  func.func @transform_6(%arg0: i32) -> (i32, i32) {
    %c0_i32 = arith.constant 0 : i32
    %c0_i32_0 = arith.constant 0 : i32
    %c0_i32_1 = arith.constant 0 : i32
    return %c0_i32, %c0_i32_0 : i32, i32
  }
  func.func @transform_7(%arg0: i32) -> (i32, i32) {
    %c0_i32 = arith.constant 0 : i32
    %c0_i32_0 = arith.constant 0 : i32
    %c0_i32_1 = arith.constant 0 : i32
    return %c0_i32, %c0_i32_0 : i32, i32
  }
  func.func @transform_8(%arg0: i32) -> (i32, i32) {
    %c0_i32 = arith.constant 0 : i32
    %c0_i32_0 = arith.constant 0 : i32
    %c0_i32_1 = arith.constant 0 : i32
    return %c0_i32, %c0_i32_0 : i32, i32
  }
  func.func @transform_9(%arg0: i32) -> (i32, i32) {
    %c0_i32 = arith.constant 0 : i32
    %c0_i32_0 = arith.constant 0 : i32
    %c0_i32_1 = arith.constant 0 : i32
    return %c0_i32, %c0_i32_0 : i32, i32
  }
  func.func @transform_10(%arg0: i32) -> (i32, i32) {
    %c0_i32 = arith.constant 0 : i32
    %c0_i32_0 = arith.constant 0 : i32
    %c0_i32_1 = arith.constant 0 : i32
    return %c0_i32, %c0_i32_0 : i32, i32
  }
}

</mosaic_0001>

<sc_bundles>
// kernel: kernel.12.cloned.1.call-start
scs
__scs_entry_jumppad:
0x0: {  	(pc) =	sbr.rel $0x88, $3  }
0x1: {  	(tag) =	ssettag $0x0;
	lr =	simm.s32 $0x1  }
0x2: {  	[smem:$0x3F96] =	sst lr;
	_ =	strace $0xD0000000  }
0x3: {  	_ = 	snop  }
0x4: {  	_ = 	snop  }
0x5: {  	_ = 	snop  }
0x6: {  	_ = 	snop  }
0x7: {  	_ = 	snop  }
__scs_overlays_trampoline_lowered:
0x8: {  	[smem:$0x3FA5] =	sst s0  }
0x9: {  	[smem:$0x3FA6] =	sst s1  }
0xa: {  	[smem:$0x3FA7] =	sst s2  }
0xb: {  	[smem:$0x3FA8] =	sst s3  }
0xc: {  	[smem:$0x3FA9] =	sst s4  }
0xd: {  	[smem:$0x3FAA] =	sst s5  }
0xe: {  	[smem:$0x3FAB] =	sst s6  }
0xf: {  	[smem:$0x3FAC] =	sst s7  }
0x10: {  	[smem:$0x3FAD] =	sst s8  }
0x11: {  	[smem:$0x3FAE] =	sst s9;
	s0 =	simm.s32 @!p0 $0x0  }
0x12: {  	s1 =	sld [smem:$0x3F94];
	s0 =	simm.s32 @p0 $0x1  }
0x13: {  	[smem:$0x3FAF] =	sst s0;
	s0 =	simm.s32 @!p1 $0x0  }
0x14: {  	s2 =	sld [smem:$0x3F93];
	s0 =	simm.s32 @p1 $0x1  }
0x15: {  	[smem:$0x3FB0] =	sst s0;
	s0 =	simm.s32 @!p2 $0x0  }
0x16: {  	s3 =	sld [smem:$0x3FDB];
	s0 =	simm.s32 @p2 $0x1  }
0x17: {  	s4 =	simm.s32 $0x1BF5;
	[smem:$0x3FB2] =	sst s0  }
0x18: {  	s0 =	sld [smem:$0x3F95];
	_ =	swait.ge [sflag:s4], $0x0  }
0x19: {  	s7 =	sld [smem:$0x3F96]  }
0x1a: {  	s8 =	sadd.s32 $0xFFFFE003, lr  }
0x1b: {  	s9 =	sadd.s32 $0xFFFFFEF7, lr;
	s5 =	simm.s32 $0xFFFFFFFF;
	p2 =	slt.u32 s8, $0xFFFFF086  }
0x1c: {  	p1 =	slt.u32 s9, $0xF7A;
	s5 =	simm.s32 @!p2 $0x0  }
0x1d: {  	s5 =	simm.s32 @p1 $0x1;
	p0 =	seq.s32 s7, s2  }
0x1e: {  	s7 =	smul.u32 @!p0 $0xF7A, s2;
	p2 =	seq.s32 @!p0 s5, $0x0  }
0x1f: {  	s9 =	smul.u32 $0xF7A, s1;
	s8 =	simm.s32 @!p0 $0x1BF5;
	p2 =	por !p2, p0  }
0x20: {  	[sflag:s8] =	ssyncset.s32 @!p0 $0xFFFFF086;
	s6 =	sadd.s32 @!p0 s3, s7;
	s7 =	simm.s32 @!p0 $0x108  }
0x21: {  	s3 =	sadd.s32 s3, s9;
	s6 =	sadd.s32 @!p0 $0x88, s6;
	s7 =	simm.s32 @p2 $0x1082  }
0x22: {  	[simem:s7], [sflag:s8] =	dma.local @!p0 [hbm:s6], $0xF7A  }
0x23: {  	s9 =	sor.u32 $0xD0000000, s2;
	s6 =	simm.s32 $0x108;
	_ =	swait.ge @!p0 [sflag:s8], $0x0  }
0x24: {  	s3 =	sadd.s32 $0x88, s3;
	s6 =	simm.s32 @!p1 $0x1082;
	[sflag:s4] =	ssyncset.s32 $0xFFFFF086  }
0x25: {  	[simem:s6], [sflag:s4] =	dma.local [hbm:s3], $0xF7A  }
0x26: {  	[smem:$0x3F96] =	sst s1;
	(tag) =	ssettag s2;
	_ =	strace s9  }
0x27: {  	s1 =	sld [smem:$0x3FA6]  }
0x28: {  	s2 =	sld [smem:$0x3FA7]  }
0x29: {  	s4 =	sld [smem:$0x3FA9]  }
0x2a: {  	p0 =	seq.s32 s5, $0x0;
	s5 =	sld [smem:$0x3FAA]  }
0x2b: {  	s6 =	sld [smem:$0x3FAB]  }
0x2c: {  	s7 =	sld [smem:$0x3FAC]  }
0x2d: {  	s3 =	simm.s32 $0x108;
	s8 =	sld [smem:$0x3FAD]  }
0x2e: {  	s3 =	simm.s32 @!p0 $0x1082;
	s9 =	sld [smem:$0x3FAE]  }
0x2f: {  	lr =	sadd.s32 s0, s3;
	s0 =	sld [smem:$0x3FA5]  }
0x30: {  	s3 =	sld [smem:$0x3FA8]  }
0x31: {  	[smem:$0x3FB1] =	sst s10  }
0x32: {  	s10 =	sld [smem:$0x3FAF];
	_ =	sdelay $0x3  }
0x33: {  	p0 =	seq.s32 s10, $0x1;
	s10 =	sld [smem:$0x3FB1];
	_ =	sdelay $0x3  }
0x34: {  	[smem:$0x3FB1] =	sst s10  }
0x35: {  	s10 =	sld [smem:$0x3FB0];
	_ =	sdelay $0x3  }
0x36: {  	p1 =	seq.s32 s10, $0x1;
	s10 =	sld [smem:$0x3FB1];
	_ =	sdelay $0x3  }
0x37: {  	[smem:$0x3FB1] =	sst s10  }
0x38: {  	s10 =	sld [smem:$0x3FB2]  }
0x39: {  	_ = 	snop;
	(pc) =	sbr.ind lr, $3  }
0x3a: {  	_ = 	snop  }
0x3b: {  	_ = 	snop  }
0x3c: {  	p2 =	seq.s32 s10, $0x1;
	s10 =	sld [smem:$0x3FB1]  }
0x3d: {  	_ =	shalt  }
0x3e: {  	_ =	shalt  }
0x3f: {  	_ =	shalt  }
0x40: {  	_ =	shalt  }
0x41: {  	_ =	shalt  }
0x42: {  	_ =	shalt  }
0x43: {  	_ =	shalt  }
0x44: {  	_ =	shalt  }
0x45: {  	_ =	shalt  }
0x46: {  	_ =	shalt  }
0x47: {  	_ =	shalt  }
0x48: {  	_ =	shalt  }
0x49: {  	_ =	shalt  }
0x4a: {  	_ =	shalt  }
0x4b: {  	_ =	shalt  }
0x4c: {  	_ =	shalt  }
0x4d: {  	_ =	shalt  }
0x4e: {  	_ =	shalt  }
0x4f: {  	_ =	shalt  }
0x50: {  	_ =	shalt  }
0x51: {  	_ =	shalt  }
0x52: {  	_ =	shalt  }
0x53: {  	_ =	shalt  }
0x54: {  	_ =	shalt  }
0x55: {  	_ =	shalt  }
0x56: {  	_ =	shalt  }
0x57: {  	_ =	shalt  }
0x58: {  	_ =	shalt  }
0x59: {  	_ =	shalt  }
0x5a: {  	_ =	shalt  }
0x5b: {  	_ =	shalt  }
0x5c: {  	_ =	shalt  }
0x5d: {  	_ =	shalt  }
0x5e: {  	_ =	shalt  }
0x5f: {  	_ =	shalt  }
0x60: {  	_ =	shalt  }
0x61: {  	_ =	shalt  }
0x62: {  	_ =	shalt  }
0x63: {  	_ =	shalt  }
0x64: {  	_ =	shalt  }
0x65: {  	_ =	shalt  }
0x66: {  	_ =	shalt  }
0x67: {  	_ =	shalt  }
0x68: {  	_ =	shalt  }
0x69: {  	_ =	shalt  }
0x6a: {  	_ =	shalt  }
0x6b: {  	_ =	shalt  }
0x6c: {  	_ =	shalt  }
0x6d: {  	_ =	shalt  }
0x6e: {  	_ =	shalt  }
0x6f: {  	_ =	shalt  }
0x70: {  	_ =	shalt  }
0x71: {  	_ =	shalt  }
0x72: {  	_ =	shalt  }
0x73: {  	_ =	shalt  }
0x74: {  	_ =	shalt  }
0x75: {  	_ =	shalt  }
0x76: {  	_ =	shalt  }
0x77: {  	_ =	shalt  }
0x78: {  	_ =	shalt  }
0x79: {  	_ =	shalt  }
0x7a: {  	_ =	shalt  }
0x7b: {  	_ =	shalt  }
0x7c: {  	_ =	shalt  }
0x7d: {  	_ =	shalt  }
0x7e: {  	_ =	shalt  }
0x7f: {  	_ =	shalt  }
0x80: {  	_ =	shalt  }
0x81: {  	_ =	shalt  }
0x82: {  	_ =	shalt  }
0x83: {  	_ =	shalt  }
0x84: {  	_ =	shalt  }
0x85: {  	_ =	shalt  }
0x86: {  	_ =	shalt  }
0x87: {  	_ =	shalt  }
.Lfunc_end0:
.L_simem_size_0:
called_computation.1_lowered:
.L_overlay_start_0:
0x88: {  	s2 =	sld [smem:$0x3FD9]  }
0x89: {  	s3 =	sld [smem:$0x3FFE];
	_ =	sdelay $0x1  }
0x8a: {  	s1 =	srdreg.scid  }
0x8b: {  	s0 =	sand.u32 $0x1, s1  }
0x8c: {  	s16 =	sshll.u32 s0, $0xA;
	s2 =	sadd.s32 s3, s2  }
0x8d: {  	s2 =	sadd.s32 s2, s16  }
0x8e: {  	[smem:$0x3FBD] =	sst s2  }
0x8f: {  	_ = 	snop  }
0x90: {  	(tm) =	ssettm $0x1  }
0x91: {  	s17 =	sld [smem:$0x3FFB];
	_ =	sdelay $0x3  }
0x92: {  	_ =	strace s17  }
0x93: {  	s2 =	sld [smem:$0x3FFC];
	_ =	sdelay $0x3  }
0x94: {  	_ =	strace s2  }
0x95: {  	s2 =	sld [smem:$0x3FFD];
	_ =	sdelay $0x3  }
0x96: {  	_ =	strace s2  }
0x97: {  	_ =	strace $0x8FFFFFFF  }
0x98: {  	s18 =	sld [smem:$0x3FDB];
	_ =	sdelay $0x1  }
0x99: {  	s19 =	simm.s32 $_scs_section_size  }
0x9a: {  	s4 =	simm.s32 $_size__tile_overlayer_lowered;
	s5 =	simm.s32 $_tile_overlayer_lowered  }
0x9b: {  	s22 =	simm.s32 $0x1BFF;
	s21 =	sshll.u32 s5, $0x1;
	s2 =	sadd.s32 s19, s18  }
0x9c: {  	s6 =	simm.s32 $0x0;
	s20 =	sshll.u32 s4, $0x1;
	s4 =	sadd.s32 s21, s2  }
0x9d: {  	[timem:s6], [sflag:s22] =	dma.local [hbm:s4], s20  }
0x9e: {  	_ =	swait.ge [sflag:s22], s20  }
0x9f: {  	s3 =	ssub.s32 $0x0, s20;
	[sflag:s22] =	ssyncset.done $0x0  }
0xa0: {  	[sflag:s22] =	ssyncadd.s32 s3;
	_ =	sdelay $0x1  }
0xa1: {  	s23 =	simm.s32 $0x1B8B  }
0xa2: {  	_ =	swait.ge [sflag:s23], $0x1  }
0xa3: {  	[sflag:s23] =	ssyncset.done $0x0  }
0xa4: {  	s25 =	simm.s32 $0x1B8E;
	s24 =	sld [smem:$0x3FFE];
	[sflag:s23] =	ssyncadd.s32 $0xFFFFFFFF  }
0xa5: {  	s26 =	simm.s32 $execute0_lowered;
	[smem:$0x3FD2] =	sst s25  }
0xa6: {  	s4 =	sshll.u32 s26, $0x1;
	_ =	strace $0x80000049;
	[dreg:$0x1] =	wrdreg $0xFFFFFFFF  }
0xa7: {  	s28 =	simm.s32 $_size_execute0_lowered;
	s2 =	sadd.s32 s2, s4;
	[dreg:$0x0] =	wrdreg $0x0  }
0xa8: {  	s4 =	sshll.u32 s28, $0x1;
	[dreg:$0x2] =	wrdreg s2  }
0xa9: {  	[dreg:$0x3] =	wrdreg s4  }
0xaa: {  	[dreg:$0x4] =	wrdreg $0xC0  }
0xab: {  	_ =	task [dreg:s6], $0x5FFFF  }
0xac: {  	[dreg:$0x1] =	wrdreg $0xFFFFFFFF  }
0xad: {  	[dreg:$0x0] =	wrdreg $0x60  }
0xae: {  	[dreg:$0x2] =	wrdreg s24  }
0xaf: {  	[dreg:$0x3] =	wrdreg $0xA0000  }
0xb0: {  	[dreg:$0x4] =	wrdreg $0x9  }
0xb1: {  	_ =	task.clear_ibuf [dreg:s6], $0x5FFFF;
	_ =	strace $0x90000049  }
0xb2: {  	s29 =	simm.s32 $0x9;
	_ =	strace $0x8000004B  }
0xb3: {  	_ =	swait.ge [sflag:s29], $0x1  }
0xb4: {  	[sflag:s29] =	ssyncadd.s32 $0xFFFFFFFF  }
0xb5: {  	_ =	strace $0x9000004B  }
0xb6: {  	_ =	sfence  }
0xb7: {  	s30 =	sld [smem:$0x0];
	_ =	sdelay $0x2  }
0xb8: {  	s31 =	sshll.u32 s1, $0xD;
	s1 =	sshrl.u32 s1, $0x2  }
0xb9: {  	s3 =	sand.u32 $0x4000, s31;
	s1 =	sadd.s32 s1, s30  }
0xba: {  	s0 =	sor.u32 s3, s0;
	s1 =	sshll.u32 s1, $0x11  }
0xbb: {  	s0 =	sor.u32 s1, s0  }
0xbc: {  	s0 =	sadd.s32 $0x8F2B, s0  }
0xbd: {  	[sflag:s0] =	ssyncadd.remote.s32 $0x1  }
0xbe: {  	_ =	sfence.sel $0xFFFF  }
0xbf: {  	[dreg:$0x0] =	wrdreg $0xFFFFFFFF;
	(pc) =	sbr.abs _section_cstart, $3  }
0xc0: {  	[dreg:$0x1] =	wrdreg $0xFFFFFFFF  }
0xc1: {  	_ =	task.clear_ibuf [dreg:s6], $0x2FFFF;
	_ =	strace $0x9FFFFFFF  }
0xc2: {  	(tm) =	ssettm $0x7FFFFFFF  }
0xc3: {  	_ =	shalt  }
tec
execute0_lowered:
.L_overlay_start_1:
0x0: {  	(tag) =	ssettag $0x1  }
0x1: {  	s0 =	rddreg [dreg:$0x0]  }
0x2: {  	s1 =	rddreg [dreg:$0x1]  }
0x3: {  	s2 =	simm.s32 $0x0;
	s4 =	srdreg.scid;
	s14 =	stileid.u32  }
0x4: {  	s15 =	simm.s32 $0x2000;
	s16 =	simm.s32 $0x80;
	s17 =	simm.s32 $0x4000  }
0x5: {  	s18 =	simm.s32 $0x100;
	s19 =	simm.s32 $0x6000;
	s20 =	simm.s32 $0x1  }
0x6: {  	s21 =	simm.s32 $0x8000;
	s22 =	simm.s32 $0x2;
	s28 =	simm.s32 $0xF80  }
0x7: {  	s29 =	simm.s32 $0x1E80;
	s30 =	simm.s32 $0x1F00;
	s31 =	simm.s32 $0x1F80  }
0x8: {  	[smem:$0x7FF] =	sst s2;
	s3 =	sadd.s32 $0x71600, s0;
	s5 =	sadd.s32 $0x5D600, s0  }
0x9: {  	s4 =	sand.u32 $0x1, s4;
	s7 =	sadd.s32 $0x49600, s0;
	s6 =	sadd.s32 $0x67600, s0  }
0xa: {  	s11 =	sadd.s32 $0x53600, s0;
	s9 =	smul.u32 $0x50000, s14;
	s10 =	sadd.s32 $0x2C00, s0  }
0xb: {  	s12 =	sshll.u32 s14, $0x6;
	s25 =	smul.u32 $0x2800, s14;
	_ =	strace $0x8000004A  }
0xc: {  	s8 =	smul.u32 $0x28000, s4;
	[dreg:$0x3] =	wrdreg s10;
	s23 =	ssub.s32 $0x2, s4  }
0xd: {  	p0 =	seq.s32 s4, $0x1;
	s24 =	sshrl.u32 s23, $0x1;
	s9 =	sshrl.u32 s9, $0x2  }
0xe: {  	s5 =	smov.u32 @p0 s7;
	s6 =	smov.u32 @p0 s11;
	s0 =	sadd.s32 s8, s0  }
0xf: {  	s10 =	ssub.s32 s23, s24;
	s13 =	sadd.s32 s9, s1;
	s8 =	sor.u32 $0x1C05, s12  }
0x10: {  	s12 =	simm.s32 $0x5;
	s23 =	simm.s32 $0x3;
	s0 =	sadd.s32 $0xC1600, s0  }
0x11: {  	s26 =	smax.u32 s10, $0x1;
	s10 =	smul.u32 $0xA00, s14;
	s11 =	sshrl.u32 s13, $0x3  }
0x12: {  	s13 =	simm.s32 $0x1000;
	s14 =	simm.s32 $0x40;
	[dreg:$0x4] =	wrdreg s26  }
0x13: {  	s24 =	sadd.s32 s25, s0;
	s25 =	simm.s32 $0x4;
	s26 =	simm.s32 $0x1E00  }
.LBB2_1:
0x14: {  	s0 =	rddreg [dreg:$0x3]  }
0x15: {  	[spmem:s11], [sflag:s8] =	dma.local [hbm:s0], $0x2800  }
0x16: {  	_ =	swait.ge [sflag:s12], $0x2800  }
0x17: {  	[sflag:s12] =	ssyncset.done $0x0  }
0x18: {  	[sflag:s12] =	ssyncadd.s32 $0xFFFFD800  }
0x19: {  	s0 =	simm.s32 $0x0;
	[bflag:$0x0] =	sbarrier.arrive $0xFFFF  }
.LBB2_2:
0x1a: {  	s4 =	sshll.u32 s0, $0x9  }
0x1b: {  	s4 =	sadd.s32 s10, s4  }
0x1c: {  	s9 =	simm.s32 $0x0;
	s7 =	sadd.s32 s5, s4  }
0x1d: {  	[tilespmem:s9], [sflag:$0x5] =	stream.linear.gather [hbm4b:s7+s9], $0x1000, $0x38;
	[tilespmem:$0x1E000] =	vst v63  }
0x1e: {  	_ =	swait.ge [sflag:s12], $0x1000  }
0x1f: {  	[sflag:s12] =	ssyncset.done $0x0  }
0x20: {  	s4 =	sadd.s32 s6, s4;
	[sflag:s12] =	ssyncadd.s32 $0xFFFFF000  }
0x21: {  	[tilespmem:s13], [sflag:$0x5] =	stream.linear.gather [hbm4b:s4+s9], $0x1000, $0x38;
	[tilespmem:$0x1E000] =	vst v63  }
0x22: {  	_ =	swait.ge [sflag:s12], $0x1000  }
0x23: {  	[sflag:s12] =	ssyncset.done $0x0  }
0x24: {  	[sflag:s12] =	ssyncadd.s32 $0xFFFFF000  }
0x25: {  	[tilespmem:s15], [sflag:$0x1] =	stream.indirect.gather [hbm4b:s3+s14], $0x80, s9, s14, $0xb8;
	[tilespmem:$0x1E000] =	vst v63  }
0x26: {  	_ = 	snop  }
0x27: {  	[tilespmem:s17], [sflag:$0x2] =	stream.indirect.gather [hbm4b:s3+s14], $0x80, s16, s14, $0xb8;
	[tilespmem:$0x1E000] =	vst v63  }
0x28: {  	_ = 	snop  }
0x29: {  	[tilespmem:s19], [sflag:$0x3] =	stream.indirect.gather [hbm4b:s3+s14], $0x80, s18, s14, $0xb8;
	[tilespmem:$0x1E000] =	vst v63  }
0x2a: {  	_ =	swait.ge [sflag:s20], $0x2000  }
0x2b: {  	[sflag:s20] =	ssyncset.done $0x0  }
0x2c: {  	s9 =	simm.s32 $0x1000;
	[sflag:s20] =	ssyncadd.s32 $0xFFFFE000  }
0x2d: {  	[spmem:s1] =	stream.indirect.scatter.add.f32 [tilespmem:s15], [sflag:$0x5], $0x80, s9, s14, $0xb8;
	[tilespmem:$0x1E000] =	vst v63  }
0x2e: {  	_ =	swait.ge [sflag:s12], $0x2000  }
0x2f: {  	[sflag:s12] =	ssyncset.done $0x0  }
0x30: {  	s7 =	simm.s32 $0x180;
	[sflag:s12] =	ssyncadd.s32 $0xFFFFE000  }
0x31: {  	[tilespmem:s21], [sflag:$0x4] =	stream.indirect.gather [hbm4b:s3+s14], $0x80, s7, s14, $0xb8;
	[tilespmem:$0x1E000] =	vst v63  }
0x32: {  	_ =	swait.ge [sflag:s22], $0x2000  }
0x33: {  	[sflag:s22] =	ssyncset.done $0x0  }
0x34: {  	s9 =	simm.s32 $0x1080;
	[sflag:s22] =	ssyncadd.s32 $0xFFFFE000  }
0x35: {  	[spmem:s1] =	stream.indirect.scatter.add.f32 [tilespmem:s17], [sflag:$0x5], $0x80, s9, s14, $0xb8;
	[tilespmem:$0x1E000] =	vst v63  }
0x36: {  	_ =	swait.ge [sflag:s12], $0x2000  }
0x37: {  	[sflag:s12] =	ssyncset.done $0x0  }
0x38: {  	s7 =	simm.s32 $0x200;
	[sflag:s12] =	ssyncadd.s32 $0xFFFFE000  }
0x39: {  	[tilespmem:s15], [sflag:$0x1] =	stream.indirect.gather [hbm4b:s3+s14], $0x80, s7, s14, $0xb8;
	[tilespmem:$0x1E000] =	vst v63  }
0x3a: {  	_ =	swait.ge [sflag:s23], $0x2000  }
0x3b: {  	[sflag:s23] =	ssyncset.done $0x0  }
0x3c: {  	s9 =	simm.s32 $0x1100;
	[sflag:s23] =	ssyncadd.s32 $0xFFFFE000  }
0x3d: {  	[spmem:s1] =	stream.indirect.scatter.add.f32 [tilespmem:s19], [sflag:$0x5], $0x80, s9, s14, $0xb8;
	[tilespmem:$0x1E000] =	vst v63  }
0x3e: {  	_ =	swait.ge [sflag:s12], $0x2000  }
0x3f: {  	[sflag:s12] =	ssyncset.done $0x0  }
0x40: {  	s7 =	simm.s32 $0x280;
	[sflag:s12] =	ssyncadd.s32 $0xFFFFE000  }
0x41: {  	[tilespmem:s17], [sflag:$0x2] =	stream.indirect.gather [hbm4b:s3+s14], $0x80, s7, s14, $0xb8;
	[tilespmem:$0x1E000] =	vst v63  }
0x42: {  	_ =	swait.ge [sflag:s25], $0x2000  }
0x43: {  	[sflag:s25] =	ssyncset.done $0x0  }
0x44: {  	s9 =	simm.s32 $0x1180;
	[sflag:s25] =	ssyncadd.s32 $0xFFFFE000  }
0x45: {  	[spmem:s1] =	stream.indirect.scatter.add.f32 [tilespmem:s21], [sflag:$0x5], $0x80, s9, s14, $0xb8;
	[tilespmem:$0x1E000] =	vst v63  }
0x46: {  	_ =	swait.ge [sflag:s12], $0x2000  }
0x47: {  	[sflag:s12] =	ssyncset.done $0x0  }
0x48: {  	s4 =	simm.s32 $0x800;
	s7 =	simm.s32 $0x300;
	[sflag:s12] =	ssyncadd.s32 $0xFFFFE000  }
.LBB2_3:
0x49: {  	[tilespmem:s19], [sflag:$0x3] =	stream.indirect.gather [hbm4b:s3+s14], $0x80, s7, s14, $0xb8;
	[tilespmem:$0x1E000] =	vst v63  }
0x4a: {  	s7 =	smov.u32 s4  }
0x4b: {  	p0 =	sne.s32 s4, $0x3000;
	s4 =	sadd.s32 $0x800, s4;
	_ =	swait.ge [sflag:s20], $0x2000  }
0x4c: {  	s7 =	sshra.s32 s7, $0x2;
	[sflag:s20] =	ssyncset.done $0x0  }
0x4d: {  	s9 =	sadd.s32 $0x1000, s7;
	[sflag:s20] =	ssyncadd.s32 $0xFFFFE000  }
0x4e: {  	[spmem:s1] =	stream.indirect.scatter.add.f32 [tilespmem:s15], [sflag:$0x5], $0x80, s9, s14, $0xb8;
	[tilespmem:$0x1E000] =	vst v63  }
0x4f: {  	_ =	swait.ge [sflag:s12], $0x2000  }
0x50: {  	[sflag:s12] =	ssyncset.done $0x0  }
0x51: {  	s9 =	sadd.s32 $0x180, s7;
	[sflag:s12] =	ssyncadd.s32 $0xFFFFE000  }
0x52: {  	[tilespmem:s21], [sflag:$0x4] =	stream.indirect.gather [hbm4b:s3+s14], $0x80, s9, s14, $0xb8;
	[tilespmem:$0x1E000] =	vst v63  }
0x53: {  	_ =	swait.ge [sflag:s22], $0x2000  }
0x54: {  	[sflag:s22] =	ssyncset.done $0x0  }
0x55: {  	s9 =	sadd.s32 $0x1080, s7;
	[sflag:s22] =	ssyncadd.s32 $0xFFFFE000  }
0x56: {  	[spmem:s1] =	stream.indirect.scatter.add.f32 [tilespmem:s17], [sflag:$0x5], $0x80, s9, s14, $0xb8;
	[tilespmem:$0x1E000] =	vst v63  }
0x57: {  	_ =	swait.ge [sflag:s12], $0x2000  }
0x58: {  	[sflag:s12] =	ssyncset.done $0x0  }
0x59: {  	s9 =	sadd.s32 $0x200, s7;
	[sflag:s12] =	ssyncadd.s32 $0xFFFFE000  }
0x5a: {  	[tilespmem:s15], [sflag:$0x1] =	stream.indirect.gather [hbm4b:s3+s14], $0x80, s9, s14, $0xb8;
	[tilespmem:$0x1E000] =	vst v63  }
0x5b: {  	_ =	swait.ge [sflag:s23], $0x2000  }
0x5c: {  	[sflag:s23] =	ssyncset.done $0x0  }
0x5d: {  	s9 =	sadd.s32 $0x1100, s7;
	[sflag:s23] =	ssyncadd.s32 $0xFFFFE000  }
0x5e: {  	[spmem:s1] =	stream.indirect.scatter.add.f32 [tilespmem:s19], [sflag:$0x5], $0x80, s9, s14, $0xb8;
	[tilespmem:$0x1E000] =	vst v63  }
0x5f: {  	_ =	swait.ge [sflag:s12], $0x2000  }
0x60: {  	[sflag:s12] =	ssyncset.done $0x0  }
0x61: {  	s9 =	sadd.s32 $0x280, s7;
	[sflag:s12] =	ssyncadd.s32 $0xFFFFE000  }
0x62: {  	[tilespmem:s17], [sflag:$0x2] =	stream.indirect.gather [hbm4b:s3+s14], $0x80, s9, s14, $0xb8;
	[tilespmem:$0x1E000] =	vst v63  }
0x63: {  	_ =	swait.ge [sflag:s25], $0x2000  }
0x64: {  	[sflag:s25] =	ssyncset.done $0x0  }
.Ltmp0:
0x65: {  	s9 =	sadd.s32 $0x1180, s7;
	[sflag:s25] =	ssyncadd.s32 $0xFFFFE000;
	(pc) =	sbr.rel @p0 .LBB2_3-.Ltmp0, $4  }
0x66: {  	[spmem:s1] =	stream.indirect.scatter.add.f32 [tilespmem:s21], [sflag:$0x5], $0x80, s9, s14, $0xb8;
	[tilespmem:$0x1E000] =	vst v63  }
0x67: {  	_ =	swait.ge [sflag:s12], $0x2000  }
0x68: {  	[sflag:s12] =	ssyncset.done $0x0  }
0x69: {  	s7 =	sadd.s32 $0x300, s7;
	[sflag:s12] =	ssyncadd.s32 $0xFFFFE000  }
0x6a: {  	[tilespmem:s19], [sflag:$0x3] =	stream.indirect.gather [hbm4b:s3+s14], $0x80, s7, s14, $0xb8;
	[tilespmem:$0x1E000] =	vst v63  }
0x6b: {  	_ =	swait.ge [sflag:s20], $0x2000  }
0x6c: {  	[sflag:s20] =	ssyncset.done $0x0  }
0x6d: {  	[sflag:s20] =	ssyncadd.s32 $0xFFFFE000  }
0x6e: {  	[spmem:s1] =	stream.indirect.scatter.add.f32 [tilespmem:s15], [sflag:$0x5], $0x80, s26, s14, $0xb8;
	[tilespmem:$0x1E000] =	vst v63  }
0x6f: {  	_ =	swait.ge [sflag:s12], $0x2000  }
0x70: {  	[sflag:s12] =	ssyncset.done $0x0  }
0x71: {  	[sflag:s12] =	ssyncadd.s32 $0xFFFFE000  }
0x72: {  	[tilespmem:s21], [sflag:$0x4] =	stream.indirect.gather [hbm4b:s3+s14], $0x80, s28, s14, $0xb8;
	[tilespmem:$0x1E000] =	vst v63  }
0x73: {  	_ =	swait.ge [sflag:s22], $0x2000  }
0x74: {  	[sflag:s22] =	ssyncset.done $0x0  }
0x75: {  	[sflag:s22] =	ssyncadd.s32 $0xFFFFE000  }
0x76: {  	[spmem:s1] =	stream.indirect.scatter.add.f32 [tilespmem:s17], [sflag:$0x5], $0x80, s29, s14, $0xb8;
	[tilespmem:$0x1E000] =	vst v63  }
0x77: {  	_ =	swait.ge [sflag:s12], $0x2000  }
0x78: {  	[sflag:s12] =	ssyncset.done $0x0  }
0x79: {  	[sflag:s12] =	ssyncadd.s32 $0xFFFFE000  }
0x7a: {  	_ =	swait.ge [sflag:s23], $0x2000  }
0x7b: {  	[sflag:s23] =	ssyncset.done $0x0  }
0x7c: {  	[sflag:s23] =	ssyncadd.s32 $0xFFFFE000  }
0x7d: {  	[spmem:s1] =	stream.indirect.scatter.add.f32 [tilespmem:s19], [sflag:$0x5], $0x80, s30, s14, $0xb8;
	[tilespmem:$0x1E000] =	vst v63  }
0x7e: {  	_ =	swait.ge [sflag:s12], $0x2000  }
0x7f: {  	[sflag:s12] =	ssyncset.done $0x0  }
0x80: {  	[sflag:s12] =	ssyncadd.s32 $0xFFFFE000  }
0x81: {  	s0 =	sadd.s32 $0x1, s0;
	_ =	swait.ge [sflag:s25], $0x2000  }
0x82: {  	p0 =	sne.s32 s0, $0x5;
	[sflag:s25] =	ssyncset.done $0x0  }
.Ltmp1:
0x83: {  	[sflag:s25] =	ssyncadd.s32 $0xFFFFE000;
	(pc) =	sbr.rel @p0 .LBB2_2-.Ltmp1, $4  }
0x84: {  	[spmem:s1] =	stream.indirect.scatter.add.f32 [tilespmem:s21], [sflag:$0x5], $0x80, s31, s14, $0xb8;
	[tilespmem:$0x1E000] =	vst v63  }
0x85: {  	_ =	swait.ge [sflag:s12], $0x2000  }
0x86: {  	[sflag:s12] =	ssyncset.done $0x0  }
0x87: {  	[sflag:s12] =	ssyncadd.s32 $0xFFFFE000  }
0x88: {  	[bflag:$0x0] =	sbarrier.arrive $0xFFFF  }
0x89: {  	[hbm:s24], [sflag:s8] =	dma.local [spmem:s11], $0x2800  }
0x8a: {  	_ =	swait.ge [sflag:s12], $0x2800  }
0x8b: {  	s2 =	sadd.s32 $0x1, s2;
	s0 =	rddreg [dreg:$0x4]  }
0x8c: {  	p0 =	sne.s32 s2, s0  }
.Ltmp2:
0x8d: {  	_ = 	snop;
	(pc) =	sbr.rel @p0 .LBB2_1-.Ltmp2, $3  }
0x8e: {  	_ =	sdelay $0x1  }
0x8f: {  	[sflag:s12] =	ssyncset.done $0x0  }
0x90: {  	[sflag:s12] =	ssyncadd.s32 $0xFFFFD800  }
0x91: {  	_ =	sfence.sel $0x180000  }
0x92: {  	[bflag:$0x0] =	sbarrier.arrive $0xFFFF  }
0x93: {  	_ =	strace $0x9000004A  }
0x94: {  	s0 =	stileid.u32;
	[bflag:$0x2] =	sbarrier.arrive $0xFFFF  }
0x95: {  	p0 =	sne.s32 s0, $0x0;
	s0 =	rddreg [dreg:$0x2]  }
0x96: {  	s0 =	sadd.s32 @!p0 $0x100000, s0  }
0x97: {  	[sflag:s0] =	ssyncadd.tile.s32 @!p0 $0x1;
	_ =	shalt  }
.Lfunc_end2:
_tile_overlayer_lowered:
.L_overlay_start_2:
0x98: {  	(tag) =	ssettag $0x2  }
0x99: {  	s0 =	rddreg [dreg:$0x0];
	s2 =	stileid.u32  }
0x9a: {  	s1 =	rddreg [dreg:$0x1];
	p0 =	sne.s32 s2, $0x0  }
0x9b: {  	s3 =	rddreg [dreg:$0x2];
	[bflag:$0x3] =	sbarrier.arrive $0xFFFF;
	s2 =	simm.s32 @!p0 $0x1C05  }
0x9c: {  	[timem:s3], [sflag:s2] =	dma.local @!p0 [hbm:s0], s1  }
0x9d: {  	s0 =	simm.s32 @!p0 $0x5  }
0x9e: {  	_ =	swait.ge @!p0 [sflag:s0], s1  }
0x9f: {  	s1 =	ssub.s32 @!p0 $0x0, s1;
	[sflag:s0] =	ssyncset.done @!p0 $0x0  }
0xa0: {  	[sflag:s0] =	ssyncadd.s32 @!p0 s1  }
0xa1: {  	[bflag:$0x3] =	sbarrier.arrive $0xFFFF  }
0xa2: {  	_ =	shalt  }

// kernel: kernel.15.cloned.1.call-start
scs
__scs_entry_jumppad:
0x0: {  	(pc) =	sbr.rel $0x88, $3  }
0x1: {  	(tag) =	ssettag $0x0;
	lr =	simm.s32 $0x1  }
0x2: {  	[smem:$0x3F96] =	sst lr;
	_ =	strace $0xD0000000  }
0x3: {  	_ = 	snop  }
0x4: {  	_ = 	snop  }
0x5: {  	_ = 	snop  }
0x6: {  	_ = 	snop  }
0x7: {  	_ = 	snop  }
__scs_overlays_trampoline_lowered:
0x8: {  	[smem:$0x3FA5] =	sst s0  }
0x9: {  	[smem:$0x3FA6] =	sst s1  }
0xa: {  	[smem:$0x3FA7] =	sst s2  }
0xb: {  	[smem:$0x3FA8] =	sst s3  }
0xc: {  	[smem:$0x3FA9] =	sst s4  }
0xd: {  	[smem:$0x3FAA] =	sst s5  }
0xe: {  	[smem:$0x3FAB] =	sst s6  }
0xf: {  	[smem:$0x3FAC] =	sst s7  }
0x10: {  	[smem:$0x3FAD] =	sst s8  }
0x11: {  	[smem:$0x3FAE] =	sst s9;
	s0 =	simm.s32 @!p0 $0x0  }
0x12: {  	s1 =	sld [smem:$0x3F94];
	s0 =	simm.s32 @p0 $0x1  }
0x13: {  	[smem:$0x3FAF] =	sst s0;
	s0 =	simm.s32 @!p1 $0x0  }
0x14: {  	s2 =	sld [smem:$0x3F93];
	s0 =	simm.s32 @p1 $0x1  }
0x15: {  	[smem:$0x3FB0] =	sst s0;
	s0 =	simm.s32 @!p2 $0x0  }
0x16: {  	s3 =	sld [smem:$0x3FDB];
	s0 =	simm.s32 @p2 $0x1  }
0x17: {  	s4 =	simm.s32 $0x1BF5;
	[smem:$0x3FB2] =	sst s0  }
0x18: {  	s0 =	sld [smem:$0x3F95];
	_ =	swait.ge [sflag:s4], $0x0  }
0x19: {  	s7 =	sld [smem:$0x3F96]  }
0x1a: {  	s8 =	sadd.s32 $0xFFFFE003, lr  }
0x1b: {  	s9 =	sadd.s32 $0xFFFFFEF7, lr;
	s5 =	simm.s32 $0xFFFFFFFF;
	p2 =	slt.u32 s8, $0xFFFFF086  }
0x1c: {  	p1 =	slt.u32 s9, $0xF7A;
	s5 =	simm.s32 @!p2 $0x0  }
0x1d: {  	s5 =	simm.s32 @p1 $0x1;
	p0 =	seq.s32 s7, s2  }
0x1e: {  	s7 =	smul.u32 @!p0 $0xF7A, s2;
	p2 =	seq.s32 @!p0 s5, $0x0  }
0x1f: {  	s9 =	smul.u32 $0xF7A, s1;
	s8 =	simm.s32 @!p0 $0x1BF5;
	p2 =	por !p2, p0  }
0x20: {  	[sflag:s8] =	ssyncset.s32 @!p0 $0xFFFFF086;
	s6 =	sadd.s32 @!p0 s3, s7;
	s7 =	simm.s32 @!p0 $0x108  }
0x21: {  	s3 =	sadd.s32 s3, s9;
	s6 =	sadd.s32 @!p0 $0x88, s6;
	s7 =	simm.s32 @p2 $0x1082  }
0x22: {  	[simem:s7], [sflag:s8] =	dma.local @!p0 [hbm:s6], $0xF7A  }
0x23: {  	s9 =	sor.u32 $0xD0000000, s2;
	s6 =	simm.s32 $0x108;
	_ =	swait.ge @!p0 [sflag:s8], $0x0  }
0x24: {  	s3 =	sadd.s32 $0x88, s3;
	s6 =	simm.s32 @!p1 $0x1082;
	[sflag:s4] =	ssyncset.s32 $0xFFFFF086  }
0x25: {  	[simem:s6], [sflag:s4] =	dma.local [hbm:s3], $0xF7A  }
0x26: {  	[smem:$0x3F96] =	sst s1;
	(tag) =	ssettag s2;
	_ =	strace s9  }
0x27: {  	s1 =	sld [smem:$0x3FA6]  }
0x28: {  	s2 =	sld [smem:$0x3FA7]  }
0x29: {  	s4 =	sld [smem:$0x3FA9]  }
0x2a: {  	p0 =	seq.s32 s5, $0x0;
	s5 =	sld [smem:$0x3FAA]  }
0x2b: {  	s6 =	sld [smem:$0x3FAB]  }
0x2c: {  	s7 =	sld [smem:$0x3FAC]  }
0x2d: {  	s3 =	simm.s32 $0x108;
	s8 =	sld [smem:$0x3FAD]  }
0x2e: {  	s3 =	simm.s32 @!p0 $0x1082;
	s9 =	sld [smem:$0x3FAE]  }
0x2f: {  	lr =	sadd.s32 s0, s3;
	s0 =	sld [smem:$0x3FA5]  }
0x30: {  	s3 =	sld [smem:$0x3FA8]  }
0x31: {  	[smem:$0x3FB1] =	sst s10  }
0x32: {  	s10 =	sld [smem:$0x3FAF];
	_ =	sdelay $0x3  }
0x33: {  	p0 =	seq.s32 s10, $0x1;
	s10 =	sld [smem:$0x3FB1];
	_ =	sdelay $0x3  }
0x34: {  	[smem:$0x3FB1] =	sst s10  }
0x35: {  	s10 =	sld [smem:$0x3FB0];
	_ =	sdelay $0x3  }
0x36: {  	p1 =	seq.s32 s10, $0x1;
	s10 =	sld [smem:$0x3FB1];
	_ =	sdelay $0x3  }
0x37: {  	[smem:$0x3FB1] =	sst s10  }
0x38: {  	s10 =	sld [smem:$0x3FB2]  }
0x39: {  	_ = 	snop;
	(pc) =	sbr.ind lr, $3  }
0x3a: {  	_ = 	snop  }
0x3b: {  	_ = 	snop  }
0x3c: {  	p2 =	seq.s32 s10, $0x1;
	s10 =	sld [smem:$0x3FB1]  }
0x3d: {  	_ =	shalt  }
0x3e: {  	_ =	shalt  }
0x3f: {  	_ =	shalt  }
0x40: {  	_ =	shalt  }
0x41: {  	_ =	shalt  }
0x42: {  	_ =	shalt  }
0x43: {  	_ =	shalt  }
0x44: {  	_ =	shalt  }
0x45: {  	_ =	shalt  }
0x46: {  	_ =	shalt  }
0x47: {  	_ =	shalt  }
0x48: {  	_ =	shalt  }
0x49: {  	_ =	shalt  }
0x4a: {  	_ =	shalt  }
0x4b: {  	_ =	shalt  }
0x4c: {  	_ =	shalt  }
0x4d: {  	_ =	shalt  }
0x4e: {  	_ =	shalt  }
0x4f: {  	_ =	shalt  }
0x50: {  	_ =	shalt  }
0x51: {  	_ =	shalt  }
0x52: {  	_ =	shalt  }
0x53: {  	_ =	shalt  }
0x54: {  	_ =	shalt  }
0x55: {  	_ =	shalt  }
0x56: {  	_ =	shalt  }
0x57: {  	_ =	shalt  }
0x58: {  	_ =	shalt  }
0x59: {  	_ =	shalt  }
0x5a: {  	_ =	shalt  }
0x5b: {  	_ =	shalt  }
0x5c: {  	_ =	shalt  }
0x5d: {  	_ =	shalt  }
0x5e: {  	_ =	shalt  }
0x5f: {  	_ =	shalt  }
0x60: {  	_ =	shalt  }
0x61: {  	_ =	shalt  }
0x62: {  	_ =	shalt  }
0x63: {  	_ =	shalt  }
0x64: {  	_ =	shalt  }
0x65: {  	_ =	shalt  }
0x66: {  	_ =	shalt  }
0x67: {  	_ =	shalt  }
0x68: {  	_ =	shalt  }
0x69: {  	_ =	shalt  }
0x6a: {  	_ =	shalt  }
0x6b: {  	_ =	shalt  }
0x6c: {  	_ =	shalt  }
0x6d: {  	_ =	shalt  }
0x6e: {  	_ =	shalt  }
0x6f: {  	_ =	shalt  }
0x70: {  	_ =	shalt  }
0x71: {  	_ =	shalt  }
0x72: {  	_ =	shalt  }
0x73: {  	_ =	shalt  }
0x74: {  	_ =	shalt  }
0x75: {  	_ =	shalt  }
0x76: {  	_ =	shalt  }
0x77: {  	_ =	shalt  }
0x78: {  	_ =	shalt  }
0x79: {  	_ =	shalt  }
0x7a: {  	_ =	shalt  }
0x7b: {  	_ =	shalt  }
0x7c: {  	_ =	shalt  }
0x7d: {  	_ =	shalt  }
0x7e: {  	_ =	shalt  }
0x7f: {  	_ =	shalt  }
0x80: {  	_ =	shalt  }
0x81: {  	_ =	shalt  }
0x82: {  	_ =	shalt  }
0x83: {  	_ =	shalt  }
0x84: {  	_ =	shalt  }
0x85: {  	_ =	shalt  }
0x86: {  	_ =	shalt  }
0x87: {  	_ =	shalt  }
.Lfunc_end0:
.L_simem_size_0:
called_computation.2_lowered:
.L_overlay_start_0:
0x88: {  	s2 =	sld [smem:$0x3FD9]  }
0x89: {  	s3 =	sld [smem:$0x3FFE];
	_ =	sdelay $0x1  }
0x8a: {  	s1 =	srdreg.scid  }
0x8b: {  	s0 =	sand.u32 $0x1, s1  }
0x8c: {  	s16 =	sshll.u32 s0, $0xA;
	s2 =	sadd.s32 s3, s2  }
0x8d: {  	s2 =	sadd.s32 s2, s16  }
0x8e: {  	[smem:$0x3FBD] =	sst s2  }
0x8f: {  	_ = 	snop  }
0x90: {  	(tm) =	ssettm $0x1  }
0x91: {  	s17 =	sld [smem:$0x3FFB];
	_ =	sdelay $0x3  }
0x92: {  	_ =	strace s17  }
0x93: {  	s2 =	sld [smem:$0x3FFC];
	_ =	sdelay $0x3  }
0x94: {  	_ =	strace s2  }
0x95: {  	s2 =	sld [smem:$0x3FFD];
	_ =	sdelay $0x3  }
0x96: {  	_ =	strace s2  }
0x97: {  	_ =	strace $0x8FFFFFFF  }
0x98: {  	s18 =	sld [smem:$0x3FDB];
	_ =	sdelay $0x1  }
0x99: {  	s19 =	simm.s32 $_scs_section_size  }
0x9a: {  	s4 =	simm.s32 $_size__tile_overlayer_lowered;
	s5 =	simm.s32 $_tile_overlayer_lowered  }
0x9b: {  	s22 =	simm.s32 $0x1BFF;
	s21 =	sshll.u32 s5, $0x1;
	s2 =	sadd.s32 s19, s18  }
0x9c: {  	s6 =	simm.s32 $0x0;
	s20 =	sshll.u32 s4, $0x1;
	s4 =	sadd.s32 s21, s2  }
0x9d: {  	[timem:s6], [sflag:s22] =	dma.local [hbm:s4], s20  }
0x9e: {  	_ =	swait.ge [sflag:s22], s20  }
0x9f: {  	s3 =	ssub.s32 $0x0, s20;
	[sflag:s22] =	ssyncset.done $0x0  }
0xa0: {  	[sflag:s22] =	ssyncadd.s32 s3;
	_ =	sdelay $0x1  }
0xa1: {  	s23 =	simm.s32 $0x1B8B  }
0xa2: {  	_ =	swait.ge [sflag:s23], $0x1  }
0xa3: {  	[sflag:s23] =	ssyncset.done $0x0  }
0xa4: {  	s25 =	simm.s32 $0x1B8E;
	s24 =	sld [smem:$0x3FFE];
	[sflag:s23] =	ssyncadd.s32 $0xFFFFFFFF  }
0xa5: {  	s26 =	simm.s32 $execute0_lowered;
	[smem:$0x3FD2] =	sst s25  }
0xa6: {  	s4 =	sshll.u32 s26, $0x1;
	_ =	strace $0x8000004C;
	[dreg:$0x1] =	wrdreg $0xFFFFFFFF  }
0xa7: {  	s28 =	simm.s32 $_size_execute0_lowered;
	s2 =	sadd.s32 s2, s4;
	[dreg:$0x0] =	wrdreg $0x0  }
0xa8: {  	s4 =	sshll.u32 s28, $0x1;
	[dreg:$0x2] =	wrdreg s2  }
0xa9: {  	[dreg:$0x3] =	wrdreg s4  }
0xaa: {  	[dreg:$0x4] =	wrdreg $0xC0  }
0xab: {  	_ =	task [dreg:s6], $0x5FFFF  }
0xac: {  	[dreg:$0x1] =	wrdreg $0xFFFFFFFF  }
0xad: {  	[dreg:$0x0] =	wrdreg $0x60  }
0xae: {  	[dreg:$0x2] =	wrdreg s24  }
0xaf: {  	[dreg:$0x3] =	wrdreg $0xC0000  }
0xb0: {  	[dreg:$0x4] =	wrdreg $0x9  }
0xb1: {  	_ =	task.clear_ibuf [dreg:s6], $0x5FFFF;
	_ =	strace $0x9000004C  }
0xb2: {  	s29 =	simm.s32 $0x9;
	_ =	strace $0x8000004E  }
0xb3: {  	_ =	swait.ge [sflag:s29], $0x1  }
0xb4: {  	[sflag:s29] =	ssyncadd.s32 $0xFFFFFFFF  }
0xb5: {  	_ =	strace $0x9000004E  }
0xb6: {  	_ =	sfence  }
0xb7: {  	s30 =	sld [smem:$0x0];
	_ =	sdelay $0x2  }
0xb8: {  	s31 =	sshll.u32 s1, $0xD;
	s1 =	sshrl.u32 s1, $0x2  }
0xb9: {  	s3 =	sand.u32 $0x4000, s31;
	s1 =	sadd.s32 s1, s30  }
0xba: {  	s0 =	sor.u32 s3, s0;
	s1 =	sshll.u32 s1, $0x11  }
0xbb: {  	s0 =	sor.u32 s1, s0  }
0xbc: {  	s0 =	sadd.s32 $0x8F2B, s0  }
0xbd: {  	[sflag:s0] =	ssyncadd.remote.s32 $0x1  }
0xbe: {  	_ =	sfence.sel $0xFFFF  }
0xbf: {  	[dreg:$0x0] =	wrdreg $0xFFFFFFFF;
	(pc) =	sbr.abs _section_cstart, $3  }
0xc0: {  	[dreg:$0x1] =	wrdreg $0xFFFFFFFF  }
0xc1: {  	_ =	task.clear_ibuf [dreg:s6], $0x2FFFF;
	_ =	strace $0x9FFFFFFF  }
0xc2: {  	(tm) =	ssettm $0x7FFFFFFF  }
0xc3: {  	_ =	shalt  }
tec
execute0_lowered:
.L_overlay_start_1:
0x0: {  	(tag) =	ssettag $0x1  }
0x1: {  	s0 =	rddreg [dreg:$0x0]  }
0x2: {  	s1 =	rddreg [dreg:$0x1];
	s2 =	simm.s32 $0x0  }
0x3: {  	s3 =	srdreg.scid;
	s12 =	stileid.u32;
	s10 =	simm.s32 $0x35600  }
0x4: {  	s13 =	simm.s32 $0x2000;
	s14 =	simm.s32 $0x40;
	s15 =	simm.s32 $0x4000  }
0x5: {  	s16 =	simm.s32 $0x80;
	s17 =	simm.s32 $0x6000;
	s18 =	simm.s32 $0x100  }
0x6: {  	s19 =	simm.s32 $0x8000;
	s20 =	simm.s32 $0x1;
	s28 =	simm.s32 $0x1F80  }
0x7: {  	s29 =	simm.s32 $0x3E80;
	s30 =	simm.s32 $0x3F00;
	s31 =	simm.s32 $0x3F80  }
0x8: {  	[smem:$0x7FF] =	sst s2;
	s3 =	sand.u32 $0x1, s3;
	s4 =	sadd.s32 $0x49600, s0  }
0x9: {  	s5 =	sadd.s32 $0xD600, s0;
	s8 =	smul.u32 $0x50000, s12;
	s9 =	sadd.s32 $0x2C00, s0  }
0xa: {  	s23 =	sshll.u32 s12, $0x6;
	s25 =	smul.u32 $0x2800, s12;
	_ =	strace $0x8000004D  }
0xb: {  	s6 =	smul.u32 $0x28000, s3;
	s7 =	ssub.s32 $0x2, s3;
	[dreg:$0x3] =	wrdreg s9  }
0xc: {  	p0 =	seq.s32 s3, $0x1;
	s21 =	sshrl.u32 s7, $0x1;
	s22 =	sshrl.u32 s8, $0x2  }
0xd: {  	s10 =	simm.s32 @!p0 $0x21600;
	s6 =	sadd.s32 s6, s0;
	s9 =	ssub.s32 s7, s21  }
0xe: {  	s11 =	sadd.s32 s22, s1;
	s7 =	sor.u32 $0x1C05, s23;
	s10 =	sadd.s32 s10, s0  }
0xf: {  	s21 =	simm.s32 $0xA000;
	s22 =	simm.s32 $0x2;
	s23 =	simm.s32 $0x3  }
0x10: {  	s24 =	sadd.s32 $0x99600, s6;
	s26 =	smax.u32 s9, $0x1;
	s9 =	smul.u32 $0x1400, s12  }
0x11: {  	s11 =	sshrl.u32 s11, $0x3;
	s12 =	simm.s32 $0x5;
	[dreg:$0x4] =	wrdreg s26  }
0x12: {  	s24 =	sadd.s32 s25, s24;
	s25 =	simm.s32 $0x4;
	s26 =	simm.s32 $0x3E00  }
.LBB2_1:
0x13: {  	s0 =	rddreg [dreg:$0x3]  }
0x14: {  	[spmem:s11], [sflag:s7] =	dma.local [hbm:s0], $0x2800  }
0x15: {  	_ =	swait.ge [sflag:s12], $0x2800  }
0x16: {  	[sflag:s12] =	ssyncset.done $0x0  }
0x17: {  	[sflag:s12] =	ssyncadd.s32 $0xFFFFD800  }
0x18: {  	s0 =	simm.s32 $0x0;
	[bflag:$0x0] =	sbarrier.arrive $0xFFFF  }
.LBB2_2:
0x19: {  	s3 =	sshll.u32 s0, $0xA  }
0x1a: {  	s3 =	sadd.s32 s9, s3  }
0x1b: {  	s8 =	simm.s32 $0x0;
	s6 =	sadd.s32 s10, s3  }
0x1c: {  	[tilespmem:s8], [sflag:$0x5] =	stream.linear.gather [hbm4b:s6+s8], $0x2000, $0x38;
	v63 =	vld [tilespmem:$0x0]  }
0x1d: {  	_ =	swait.ge [sflag:s12], $0x2000  }
0x1e: {  	[sflag:s12] =	ssyncset.done $0x0  }
0x1f: {  	s3 =	sadd.s32 s5, s3;
	[sflag:s12] =	ssyncadd.s32 $0xFFFFE000  }
0x20: {  	[tilespmem:s13], [sflag:$0x5] =	stream.linear.gather [hbm4b:s3+s8], $0x2000, $0x38;
	v63 =	vld [tilespmem:$0x0]  }
0x21: {  	_ =	swait.ge [sflag:s12], $0x2000  }
0x22: {  	[sflag:s12] =	ssyncset.done $0x0  }
0x23: {  	[sflag:s12] =	ssyncadd.s32 $0xFFFFE000  }
0x24: {  	[tilespmem:s15], [sflag:$0x1] =	stream.indirect.gather [hbm4b:s4+s14], $0x80, s8, s14, $0xb8;
	v63 =	vld [tilespmem:$0x0]  }
0x25: {  	_ = 	snop  }
0x26: {  	[tilespmem:s17], [sflag:$0x2] =	stream.indirect.gather [hbm4b:s4+s14], $0x80, s16, s14, $0xb8;
	v63 =	vld [tilespmem:$0x0]  }
0x27: {  	_ = 	snop  }
0x28: {  	[tilespmem:s19], [sflag:$0x3] =	stream.indirect.gather [hbm4b:s4+s14], $0x80, s18, s14, $0xb8;
	v63 =	vld [tilespmem:$0x0]  }
0x29: {  	_ =	swait.ge [sflag:s20], $0x2000  }
0x2a: {  	[sflag:s20] =	ssyncset.done $0x0  }
0x2b: {  	s8 =	simm.s32 $0x2000;
	[sflag:s20] =	ssyncadd.s32 $0xFFFFE000  }
0x2c: {  	[spmem:s1] =	stream.indirect.scatter.add.f32 [tilespmem:s15], [sflag:$0x5], $0x80, s8, s14, $0xb8;
	v63 =	vld [tilespmem:$0x0]  }
0x2d: {  	_ =	swait.ge [sflag:s12], $0x2000  }
0x2e: {  	[sflag:s12] =	ssyncset.done $0x0  }
0x2f: {  	s6 =	simm.s32 $0x180;
	[sflag:s12] =	ssyncadd.s32 $0xFFFFE000  }
0x30: {  	[tilespmem:s21], [sflag:$0x4] =	stream.indirect.gather [hbm4b:s4+s14], $0x80, s6, s14, $0xb8;
	v63 =	vld [tilespmem:$0x0]  }
0x31: {  	_ =	swait.ge [sflag:s22], $0x2000  }
0x32: {  	[sflag:s22] =	ssyncset.done $0x0  }
0x33: {  	s8 =	simm.s32 $0x2080;
	[sflag:s22] =	ssyncadd.s32 $0xFFFFE000  }
0x34: {  	[spmem:s1] =	stream.indirect.scatter.add.f32 [tilespmem:s17], [sflag:$0x5], $0x80, s8, s14, $0xb8;
	v63 =	vld [tilespmem:$0x0]  }
0x35: {  	_ =	swait.ge [sflag:s12], $0x2000  }
0x36: {  	[sflag:s12] =	ssyncset.done $0x0  }
0x37: {  	s6 =	simm.s32 $0x200;
	[sflag:s12] =	ssyncadd.s32 $0xFFFFE000  }
0x38: {  	[tilespmem:s15], [sflag:$0x1] =	stream.indirect.gather [hbm4b:s4+s14], $0x80, s6, s14, $0xb8;
	v63 =	vld [tilespmem:$0x0]  }
0x39: {  	_ =	swait.ge [sflag:s23], $0x2000  }
0x3a: {  	[sflag:s23] =	ssyncset.done $0x0  }
0x3b: {  	s8 =	simm.s32 $0x2100;
	[sflag:s23] =	ssyncadd.s32 $0xFFFFE000  }
0x3c: {  	[spmem:s1] =	stream.indirect.scatter.add.f32 [tilespmem:s19], [sflag:$0x5], $0x80, s8, s14, $0xb8;
	v63 =	vld [tilespmem:$0x0]  }
0x3d: {  	_ =	swait.ge [sflag:s12], $0x2000  }
0x3e: {  	[sflag:s12] =	ssyncset.done $0x0  }
0x3f: {  	s6 =	simm.s32 $0x280;
	[sflag:s12] =	ssyncadd.s32 $0xFFFFE000  }
0x40: {  	[tilespmem:s17], [sflag:$0x2] =	stream.indirect.gather [hbm4b:s4+s14], $0x80, s6, s14, $0xb8;
	v63 =	vld [tilespmem:$0x0]  }
0x41: {  	_ =	swait.ge [sflag:s25], $0x2000  }
0x42: {  	[sflag:s25] =	ssyncset.done $0x0  }
0x43: {  	s8 =	simm.s32 $0x2180;
	[sflag:s25] =	ssyncadd.s32 $0xFFFFE000  }
0x44: {  	[spmem:s1] =	stream.indirect.scatter.add.f32 [tilespmem:s21], [sflag:$0x5], $0x80, s8, s14, $0xb8;
	v63 =	vld [tilespmem:$0x0]  }
0x45: {  	_ =	swait.ge [sflag:s12], $0x2000  }
0x46: {  	[sflag:s12] =	ssyncset.done $0x0  }
0x47: {  	s3 =	simm.s32 $0x800;
	s6 =	simm.s32 $0x300;
	[sflag:s12] =	ssyncadd.s32 $0xFFFFE000  }
.LBB2_3:
0x48: {  	[tilespmem:s19], [sflag:$0x3] =	stream.indirect.gather [hbm4b:s4+s14], $0x80, s6, s14, $0xb8;
	v63 =	vld [tilespmem:$0x0]  }
0x49: {  	s6 =	smov.u32 s3  }
0x4a: {  	p0 =	sne.s32 s3, $0x7000;
	s3 =	sadd.s32 $0x800, s3;
	_ =	swait.ge [sflag:s20], $0x2000  }
0x4b: {  	s6 =	sshra.s32 s6, $0x2;
	[sflag:s20] =	ssyncset.done $0x0  }
0x4c: {  	s8 =	sadd.s32 $0x2000, s6;
	[sflag:s20] =	ssyncadd.s32 $0xFFFFE000  }
0x4d: {  	[spmem:s1] =	stream.indirect.scatter.add.f32 [tilespmem:s15], [sflag:$0x5], $0x80, s8, s14, $0xb8;
	v63 =	vld [tilespmem:$0x0]  }
0x4e: {  	_ =	swait.ge [sflag:s12], $0x2000  }
0x4f: {  	[sflag:s12] =	ssyncset.done $0x0  }
0x50: {  	s8 =	sadd.s32 $0x180, s6;
	[sflag:s12] =	ssyncadd.s32 $0xFFFFE000  }
0x51: {  	[tilespmem:s21], [sflag:$0x4] =	stream.indirect.gather [hbm4b:s4+s14], $0x80, s8, s14, $0xb8;
	v63 =	vld [tilespmem:$0x0]  }
0x52: {  	_ =	swait.ge [sflag:s22], $0x2000  }
0x53: {  	[sflag:s22] =	ssyncset.done $0x0  }
0x54: {  	s8 =	sadd.s32 $0x2080, s6;
	[sflag:s22] =	ssyncadd.s32 $0xFFFFE000  }
0x55: {  	[spmem:s1] =	stream.indirect.scatter.add.f32 [tilespmem:s17], [sflag:$0x5], $0x80, s8, s14, $0xb8;
	v63 =	vld [tilespmem:$0x0]  }
0x56: {  	_ =	swait.ge [sflag:s12], $0x2000  }
0x57: {  	[sflag:s12] =	ssyncset.done $0x0  }
0x58: {  	s8 =	sadd.s32 $0x200, s6;
	[sflag:s12] =	ssyncadd.s32 $0xFFFFE000  }
0x59: {  	[tilespmem:s15], [sflag:$0x1] =	stream.indirect.gather [hbm4b:s4+s14], $0x80, s8, s14, $0xb8;
	v63 =	vld [tilespmem:$0x0]  }
0x5a: {  	_ =	swait.ge [sflag:s23], $0x2000  }
0x5b: {  	[sflag:s23] =	ssyncset.done $0x0  }
0x5c: {  	s8 =	sadd.s32 $0x2100, s6;
	[sflag:s23] =	ssyncadd.s32 $0xFFFFE000  }
0x5d: {  	[spmem:s1] =	stream.indirect.scatter.add.f32 [tilespmem:s19], [sflag:$0x5], $0x80, s8, s14, $0xb8;
	v63 =	vld [tilespmem:$0x0]  }
0x5e: {  	_ =	swait.ge [sflag:s12], $0x2000  }
0x5f: {  	[sflag:s12] =	ssyncset.done $0x0  }
0x60: {  	s8 =	sadd.s32 $0x280, s6;
	[sflag:s12] =	ssyncadd.s32 $0xFFFFE000  }
0x61: {  	[tilespmem:s17], [sflag:$0x2] =	stream.indirect.gather [hbm4b:s4+s14], $0x80, s8, s14, $0xb8;
	v63 =	vld [tilespmem:$0x0]  }
0x62: {  	_ =	swait.ge [sflag:s25], $0x2000  }
0x63: {  	[sflag:s25] =	ssyncset.done $0x0  }
.Ltmp0:
0x64: {  	s8 =	sadd.s32 $0x2180, s6;
	[sflag:s25] =	ssyncadd.s32 $0xFFFFE000;
	(pc) =	sbr.rel @p0 .LBB2_3-.Ltmp0, $4  }
0x65: {  	[spmem:s1] =	stream.indirect.scatter.add.f32 [tilespmem:s21], [sflag:$0x5], $0x80, s8, s14, $0xb8;
	v63 =	vld [tilespmem:$0x0]  }
0x66: {  	_ =	swait.ge [sflag:s12], $0x2000  }
0x67: {  	[sflag:s12] =	ssyncset.done $0x0  }
0x68: {  	s6 =	sadd.s32 $0x300, s6;
	[sflag:s12] =	ssyncadd.s32 $0xFFFFE000  }
0x69: {  	[tilespmem:s19], [sflag:$0x3] =	stream.indirect.gather [hbm4b:s4+s14], $0x80, s6, s14, $0xb8;
	v63 =	vld [tilespmem:$0x0]  }
0x6a: {  	_ =	swait.ge [sflag:s20], $0x2000  }
0x6b: {  	[sflag:s20] =	ssyncset.done $0x0  }
0x6c: {  	[sflag:s20] =	ssyncadd.s32 $0xFFFFE000  }
0x6d: {  	[spmem:s1] =	stream.indirect.scatter.add.f32 [tilespmem:s15], [sflag:$0x5], $0x80, s26, s14, $0xb8;
	v63 =	vld [tilespmem:$0x0]  }
0x6e: {  	_ =	swait.ge [sflag:s12], $0x2000  }
0x6f: {  	[sflag:s12] =	ssyncset.done $0x0  }
0x70: {  	[sflag:s12] =	ssyncadd.s32 $0xFFFFE000  }
0x71: {  	[tilespmem:s21], [sflag:$0x4] =	stream.indirect.gather [hbm4b:s4+s14], $0x80, s28, s14, $0xb8;
	v63 =	vld [tilespmem:$0x0]  }
0x72: {  	_ =	swait.ge [sflag:s22], $0x2000  }
0x73: {  	[sflag:s22] =	ssyncset.done $0x0  }
0x74: {  	[sflag:s22] =	ssyncadd.s32 $0xFFFFE000  }
0x75: {  	[spmem:s1] =	stream.indirect.scatter.add.f32 [tilespmem:s17], [sflag:$0x5], $0x80, s29, s14, $0xb8;
	v63 =	vld [tilespmem:$0x0]  }
0x76: {  	_ =	swait.ge [sflag:s12], $0x2000  }
0x77: {  	[sflag:s12] =	ssyncset.done $0x0  }
0x78: {  	[sflag:s12] =	ssyncadd.s32 $0xFFFFE000  }
0x79: {  	_ =	swait.ge [sflag:s23], $0x2000  }
0x7a: {  	[sflag:s23] =	ssyncset.done $0x0  }
0x7b: {  	[sflag:s23] =	ssyncadd.s32 $0xFFFFE000  }
0x7c: {  	[spmem:s1] =	stream.indirect.scatter.add.f32 [tilespmem:s19], [sflag:$0x5], $0x80, s30, s14, $0xb8;
	v63 =	vld [tilespmem:$0x0]  }
0x7d: {  	_ =	swait.ge [sflag:s12], $0x2000  }
0x7e: {  	[sflag:s12] =	ssyncset.done $0x0  }
0x7f: {  	[sflag:s12] =	ssyncadd.s32 $0xFFFFE000  }
0x80: {  	s0 =	sadd.s32 $0x1, s0;
	_ =	swait.ge [sflag:s25], $0x2000  }
0x81: {  	p0 =	sne.s32 s0, $0x5;
	[sflag:s25] =	ssyncset.done $0x0  }
.Ltmp1:
0x82: {  	[sflag:s25] =	ssyncadd.s32 $0xFFFFE000;
	(pc) =	sbr.rel @p0 .LBB2_2-.Ltmp1, $4  }
0x83: {  	[spmem:s1] =	stream.indirect.scatter.add.f32 [tilespmem:s21], [sflag:$0x5], $0x80, s31, s14, $0xb8;
	v63 =	vld [tilespmem:$0x0]  }
0x84: {  	_ =	swait.ge [sflag:s12], $0x2000  }
0x85: {  	[sflag:s12] =	ssyncset.done $0x0  }
0x86: {  	[sflag:s12] =	ssyncadd.s32 $0xFFFFE000  }
0x87: {  	[bflag:$0x0] =	sbarrier.arrive $0xFFFF  }
0x88: {  	[hbm:s24], [sflag:s7] =	dma.local [spmem:s11], $0x2800  }
0x89: {  	_ =	swait.ge [sflag:s12], $0x2800  }
0x8a: {  	s2 =	sadd.s32 $0x1, s2;
	s0 =	rddreg [dreg:$0x4]  }
0x8b: {  	p0 =	sne.s32 s2, s0  }
.Ltmp2:
0x8c: {  	_ = 	snop;
	(pc) =	sbr.rel @p0 .LBB2_1-.Ltmp2, $3  }
0x8d: {  	_ =	sdelay $0x1  }
0x8e: {  	[sflag:s12] =	ssyncset.done $0x0  }
0x8f: {  	[sflag:s12] =	ssyncadd.s32 $0xFFFFD800  }
0x90: {  	_ =	sfence.sel $0x180000  }
0x91: {  	[bflag:$0x0] =	sbarrier.arrive $0xFFFF  }
0x92: {  	_ =	strace $0x9000004D  }
0x93: {  	s0 =	stileid.u32;
	[bflag:$0x2] =	sbarrier.arrive $0xFFFF  }
0x94: {  	p0 =	sne.s32 s0, $0x0;
	s0 =	rddreg [dreg:$0x2]  }
0x95: {  	s0 =	sadd.s32 @!p0 $0x100000, s0  }
0x96: {  	[sflag:s0] =	ssyncadd.tile.s32 @!p0 $0x1;
	_ =	shalt  }
.Lfunc_end2:
_tile_overlayer_lowered:
.L_overlay_start_2:
0x97: {  	(tag) =	ssettag $0x2  }
0x98: {  	s0 =	rddreg [dreg:$0x0];
	s2 =	stileid.u32  }
0x99: {  	s1 =	rddreg [dreg:$0x1];
	p0 =	sne.s32 s2, $0x0  }
0x9a: {  	s3 =	rddreg [dreg:$0x2];
	[bflag:$0x3] =	sbarrier.arrive $0xFFFF;
	s2 =	simm.s32 @!p0 $0x1C05  }
0x9b: {  	[timem:s3], [sflag:s2] =	dma.local @!p0 [hbm:s0], s1  }
0x9c: {  	s0 =	simm.s32 @!p0 $0x5  }
0x9d: {  	_ =	swait.ge @!p0 [sflag:s0], s1  }
0x9e: {  	s1 =	ssub.s32 @!p0 $0x0, s1;
	[sflag:s0] =	ssyncset.done @!p0 $0x0  }
0x9f: {  	[sflag:s0] =	ssyncadd.s32 @!p0 s1  }
0xa0: {  	[bflag:$0x3] =	sbarrier.arrive $0xFFFF  }
0xa1: {  	_ =	shalt  }

// kernel: kernel.9.cloned.1.call-start
scs
__scs_entry_jumppad:
0x0: {  	(pc) =	sbr.rel $0x88, $3  }
0x1: {  	(tag) =	ssettag $0x0;
	lr =	simm.s32 $0x1  }
0x2: {  	[smem:$0x3F96] =	sst lr;
	_ =	strace $0xD0000000  }
0x3: {  	_ = 	snop  }
0x4: {  	_ = 	snop  }
0x5: {  	_ = 	snop  }
0x6: {  	_ = 	snop  }
0x7: {  	_ = 	snop  }
__scs_overlays_trampoline_lowered:
0x8: {  	[smem:$0x3FA5] =	sst s0  }
0x9: {  	[smem:$0x3FA6] =	sst s1  }
0xa: {  	[smem:$0x3FA7] =	sst s2  }
0xb: {  	[smem:$0x3FA8] =	sst s3  }
0xc: {  	[smem:$0x3FA9] =	sst s4  }
0xd: {  	[smem:$0x3FAA] =	sst s5  }
0xe: {  	[smem:$0x3FAB] =	sst s6  }
0xf: {  	[smem:$0x3FAC] =	sst s7  }
0x10: {  	[smem:$0x3FAD] =	sst s8  }
0x11: {  	[smem:$0x3FAE] =	sst s9;
	s0 =	simm.s32 @!p0 $0x0  }
0x12: {  	s1 =	sld [smem:$0x3F94];
	s0 =	simm.s32 @p0 $0x1  }
0x13: {  	[smem:$0x3FAF] =	sst s0;
	s0 =	simm.s32 @!p1 $0x0  }
0x14: {  	s2 =	sld [smem:$0x3F93];
	s0 =	simm.s32 @p1 $0x1  }
0x15: {  	[smem:$0x3FB0] =	sst s0;
	s0 =	simm.s32 @!p2 $0x0  }
0x16: {  	s3 =	sld [smem:$0x3FDB];
	s0 =	simm.s32 @p2 $0x1  }
0x17: {  	s4 =	simm.s32 $0x1BF5;
	[smem:$0x3FB2] =	sst s0  }
0x18: {  	s0 =	sld [smem:$0x3F95];
	_ =	swait.ge [sflag:s4], $0x0  }
0x19: {  	s7 =	sld [smem:$0x3F96]  }
0x1a: {  	s8 =	sadd.s32 $0xFFFFE003, lr  }
0x1b: {  	s9 =	sadd.s32 $0xFFFFFEF7, lr;
	s5 =	simm.s32 $0xFFFFFFFF;
	p2 =	slt.u32 s8, $0xFFFFF086  }
0x1c: {  	p1 =	slt.u32 s9, $0xF7A;
	s5 =	simm.s32 @!p2 $0x0  }
0x1d: {  	s5 =	simm.s32 @p1 $0x1;
	p0 =	seq.s32 s7, s2  }
0x1e: {  	s7 =	smul.u32 @!p0 $0xF7A, s2;
	p2 =	seq.s32 @!p0 s5, $0x0  }
0x1f: {  	s9 =	smul.u32 $0xF7A, s1;
	s8 =	simm.s32 @!p0 $0x1BF5;
	p2 =	por !p2, p0  }
0x20: {  	[sflag:s8] =	ssyncset.s32 @!p0 $0xFFFFF086;
	s6 =	sadd.s32 @!p0 s3, s7;
	s7 =	simm.s32 @!p0 $0x108  }
0x21: {  	s3 =	sadd.s32 s3, s9;
	s6 =	sadd.s32 @!p0 $0x88, s6;
	s7 =	simm.s32 @p2 $0x1082  }
0x22: {  	[simem:s7], [sflag:s8] =	dma.local @!p0 [hbm:s6], $0xF7A  }
0x23: {  	s9 =	sor.u32 $0xD0000000, s2;
	s6 =	simm.s32 $0x108;
	_ =	swait.ge @!p0 [sflag:s8], $0x0  }
0x24: {  	s3 =	sadd.s32 $0x88, s3;
	s6 =	simm.s32 @!p1 $0x1082;
	[sflag:s4] =	ssyncset.s32 $0xFFFFF086  }
0x25: {  	[simem:s6], [sflag:s4] =	dma.local [hbm:s3], $0xF7A  }
0x26: {  	[smem:$0x3F96] =	sst s1;
	(tag) =	ssettag s2;
	_ =	strace s9  }
0x27: {  	s1 =	sld [smem:$0x3FA6]  }
0x28: {  	s2 =	sld [smem:$0x3FA7]  }
0x29: {  	s4 =	sld [smem:$0x3FA9]  }
0x2a: {  	p0 =	seq.s32 s5, $0x0;
	s5 =	sld [smem:$0x3FAA]  }
0x2b: {  	s6 =	sld [smem:$0x3FAB]  }
0x2c: {  	s7 =	sld [smem:$0x3FAC]  }
0x2d: {  	s3 =	simm.s32 $0x108;
	s8 =	sld [smem:$0x3FAD]  }
0x2e: {  	s3 =	simm.s32 @!p0 $0x1082;
	s9 =	sld [smem:$0x3FAE]  }
0x2f: {  	lr =	sadd.s32 s0, s3;
	s0 =	sld [smem:$0x3FA5]  }
0x30: {  	s3 =	sld [smem:$0x3FA8]  }
0x31: {  	[smem:$0x3FB1] =	sst s10  }
0x32: {  	s10 =	sld [smem:$0x3FAF];
	_ =	sdelay $0x3  }
0x33: {  	p0 =	seq.s32 s10, $0x1;
	s10 =	sld [smem:$0x3FB1];
	_ =	sdelay $0x3  }
0x34: {  	[smem:$0x3FB1] =	sst s10  }
0x35: {  	s10 =	sld [smem:$0x3FB0];
	_ =	sdelay $0x3  }
0x36: {  	p1 =	seq.s32 s10, $0x1;
	s10 =	sld [smem:$0x3FB1];
	_ =	sdelay $0x3  }
0x37: {  	[smem:$0x3FB1] =	sst s10  }
0x38: {  	s10 =	sld [smem:$0x3FB2]  }
0x39: {  	_ = 	snop;
	(pc) =	sbr.ind lr, $3  }
0x3a: {  	_ = 	snop  }
0x3b: {  	_ = 	snop  }
0x3c: {  	p2 =	seq.s32 s10, $0x1;
	s10 =	sld [smem:$0x3FB1]  }
0x3d: {  	_ =	shalt  }
0x3e: {  	_ =	shalt  }
0x3f: {  	_ =	shalt  }
0x40: {  	_ =	shalt  }
0x41: {  	_ =	shalt  }
0x42: {  	_ =	shalt  }
0x43: {  	_ =	shalt  }
0x44: {  	_ =	shalt  }
0x45: {  	_ =	shalt  }
0x46: {  	_ =	shalt  }
0x47: {  	_ =	shalt  }
0x48: {  	_ =	shalt  }
0x49: {  	_ =	shalt  }
0x4a: {  	_ =	shalt  }
0x4b: {  	_ =	shalt  }
0x4c: {  	_ =	shalt  }
0x4d: {  	_ =	shalt  }
0x4e: {  	_ =	shalt  }
0x4f: {  	_ =	shalt  }
0x50: {  	_ =	shalt  }
0x51: {  	_ =	shalt  }
0x52: {  	_ =	shalt  }
0x53: {  	_ =	shalt  }
0x54: {  	_ =	shalt  }
0x55: {  	_ =	shalt  }
0x56: {  	_ =	shalt  }
0x57: {  	_ =	shalt  }
0x58: {  	_ =	shalt  }
0x59: {  	_ =	shalt  }
0x5a: {  	_ =	shalt  }
0x5b: {  	_ =	shalt  }
0x5c: {  	_ =	shalt  }
0x5d: {  	_ =	shalt  }
0x5e: {  	_ =	shalt  }
0x5f: {  	_ =	shalt  }
0x60: {  	_ =	shalt  }
0x61: {  	_ =	shalt  }
0x62: {  	_ =	shalt  }
0x63: {  	_ =	shalt  }
0x64: {  	_ =	shalt  }
0x65: {  	_ =	shalt  }
0x66: {  	_ =	shalt  }
0x67: {  	_ =	shalt  }
0x68: {  	_ =	shalt  }
0x69: {  	_ =	shalt  }
0x6a: {  	_ =	shalt  }
0x6b: {  	_ =	shalt  }
0x6c: {  	_ =	shalt  }
0x6d: {  	_ =	shalt  }
0x6e: {  	_ =	shalt  }
0x6f: {  	_ =	shalt  }
0x70: {  	_ =	shalt  }
0x71: {  	_ =	shalt  }
0x72: {  	_ =	shalt  }
0x73: {  	_ =	shalt  }
0x74: {  	_ =	shalt  }
0x75: {  	_ =	shalt  }
0x76: {  	_ =	shalt  }
0x77: {  	_ =	shalt  }
0x78: {  	_ =	shalt  }
0x79: {  	_ =	shalt  }
0x7a: {  	_ =	shalt  }
0x7b: {  	_ =	shalt  }
0x7c: {  	_ =	shalt  }
0x7d: {  	_ =	shalt  }
0x7e: {  	_ =	shalt  }
0x7f: {  	_ =	shalt  }
0x80: {  	_ =	shalt  }
0x81: {  	_ =	shalt  }
0x82: {  	_ =	shalt  }
0x83: {  	_ =	shalt  }
0x84: {  	_ =	shalt  }
0x85: {  	_ =	shalt  }
0x86: {  	_ =	shalt  }
0x87: {  	_ =	shalt  }
.Lfunc_end0:
.L_simem_size_0:
called_computation_lowered:
.L_overlay_start_0:
0x88: {  	s2 =	sld [smem:$0x3FD9]  }
0x89: {  	s3 =	sld [smem:$0x3FFE];
	_ =	sdelay $0x1  }
0x8a: {  	s1 =	srdreg.scid  }
0x8b: {  	s0 =	sand.u32 $0x1, s1  }
0x8c: {  	s14 =	sshll.u32 s0, $0xA;
	s2 =	sadd.s32 s3, s2  }
0x8d: {  	s2 =	sadd.s32 s2, s14  }
0x8e: {  	[smem:$0x3FBD] =	sst s2  }
0x8f: {  	_ = 	snop  }
0x90: {  	s2 =	sld [smem:$0x3FD0];
	_ =	sdelay $0x2  }
0x91: {  	s15 =	simm.s32 $0xA;
	s4 =	simm.s32 $0x10  }
0x92: {  	[smem:s4], [sflag:s15] =	dma.local [hbm:s2], $0x1  }
0x93: {  	_ =	swait.eq [sflag:s15], $0x1  }
0x94: {  	[sflag:s15] =	ssyncset.done $0x0  }
0x95: {  	s16 =	sld [smem:$0x10];
	[sflag:s15] =	ssyncadd.s32 $0xFFFFFFFF  }
0x96: {  	s17 =	sld [smem:$0x11];
	(tm) =	ssettm $0x1  }
0x97: {  	s18 =	sld [smem:$0x3FFB];
	_ =	sdelay $0x3  }
0x98: {  	_ =	strace s18  }
0x99: {  	s4 =	sld [smem:$0x3FFC];
	_ =	sdelay $0x3  }
0x9a: {  	_ =	strace s4  }
0x9b: {  	s4 =	sld [smem:$0x3FFD];
	_ =	sdelay $0x3  }
0x9c: {  	_ =	strace s4  }
0x9d: {  	_ =	strace $0x8FFFFFFF  }
0x9e: {  	s19 =	sld [smem:$0x3FDB];
	_ =	sdelay $0x1  }
0x9f: {  	s5 =	simm.s32 $_scs_section_size  }
0xa0: {  	s6 =	simm.s32 $_size__tile_overlayer_lowered;
	s7 =	simm.s32 $_tile_overlayer_lowered  }
0xa1: {  	s22 =	simm.s32 $0x1BFF;
	s21 =	sshll.u32 s7, $0x1;
	s4 =	sadd.s32 s5, s19  }
0xa2: {  	s8 =	simm.s32 $0x0;
	s20 =	sshll.u32 s6, $0x1;
	s6 =	sadd.s32 s21, s4  }
0xa3: {  	[timem:s8], [sflag:s22] =	dma.local [hbm:s6], s20  }
0xa4: {  	_ =	swait.ge [sflag:s22], s20  }
0xa5: {  	s5 =	ssub.s32 $0x0, s20;
	[sflag:s22] =	ssyncset.done $0x0  }
0xa6: {  	[sflag:s22] =	ssyncadd.s32 s5;
	_ =	sdelay $0x1  }
0xa7: {  	s23 =	simm.s32 $0x1B8B  }
0xa8: {  	_ =	swait.ge [sflag:s23], $0x1  }
0xa9: {  	[sflag:s23] =	ssyncset.done $0x0  }
0xaa: {  	s25 =	simm.s32 $0x1B8E;
	s24 =	sld [smem:$0x3FFE];
	[sflag:s23] =	ssyncadd.s32 $0xFFFFFFFF  }
0xab: {  	s26 =	simm.s32 $execute0_lowered;
	[smem:$0x3FD2] =	sst s25  }
0xac: {  	s6 =	sshll.u32 s26, $0x1;
	_ =	strace $0x80000046;
	[dreg:$0x1] =	wrdreg $0xFFFFFFFF  }
0xad: {  	s28 =	simm.s32 $_size_execute0_lowered;
	s4 =	sadd.s32 s4, s6;
	[dreg:$0x0] =	wrdreg $0x0  }
0xae: {  	s6 =	sshll.u32 s28, $0x1;
	[dreg:$0x2] =	wrdreg s4  }
0xaf: {  	[dreg:$0x3] =	wrdreg s6  }
0xb0: {  	[dreg:$0x4] =	wrdreg $0xC0  }
0xb1: {  	_ =	task [dreg:s8], $0x5FFFF  }
0xb2: {  	[dreg:$0x1] =	wrdreg $0xFFFFFFFF  }
0xb3: {  	[dreg:$0x0] =	wrdreg $0x60  }
0xb4: {  	[dreg:$0x2] =	wrdreg s24  }
0xb5: {  	[dreg:$0x3] =	wrdreg s17  }
0xb6: {  	[dreg:$0x4] =	wrdreg s16  }
0xb7: {  	[dreg:$0x5] =	wrdreg $0x2B000  }
0xb8: {  	[dreg:$0x6] =	wrdreg $0x9  }
0xb9: {  	_ =	task.clear_ibuf [dreg:s8], $0x7FFFF;
	_ =	strace $0x90000046  }
0xba: {  	s29 =	simm.s32 $0x9;
	_ =	strace $0x80000048  }
0xbb: {  	_ =	swait.ge [sflag:s29], $0x1  }
0xbc: {  	[sflag:s29] =	ssyncadd.s32 $0xFFFFFFFF  }
0xbd: {  	_ =	strace $0x90000048  }
0xbe: {  	_ =	sfence  }
0xbf: {  	s30 =	sld [smem:$0x0];
	_ =	sdelay $0x2  }
0xc0: {  	s31 =	sshll.u32 s1, $0xD;
	s1 =	sshrl.u32 s1, $0x2  }
0xc1: {  	s3 =	sand.u32 $0x4000, s31;
	s1 =	sadd.s32 s1, s30  }
0xc2: {  	s0 =	sor.u32 s3, s0;
	s1 =	sshll.u32 s1, $0x11  }
0xc3: {  	s0 =	sor.u32 s1, s0  }
0xc4: {  	s0 =	sadd.s32 $0x8F2B, s0  }
0xc5: {  	[sflag:s0] =	ssyncadd.remote.s32 $0x1  }
0xc6: {  	_ =	sfence.sel $0xFFFF  }
0xc7: {  	[dreg:$0x0] =	wrdreg $0xFFFFFFFF;
	(pc) =	sbr.abs _section_cstart, $3  }
0xc8: {  	[dreg:$0x1] =	wrdreg $0xFFFFFFFF  }
0xc9: {  	_ =	task.clear_ibuf [dreg:s8], $0x2FFFF;
	_ =	strace $0x9FFFFFFF  }
0xca: {  	(tm) =	ssettm $0x7FFFFFFF  }
0xcb: {  	_ =	shalt  }
tec
execute0_lowered:
.L_overlay_start_1:
0x0: {  	(tag) =	ssettag $0x1  }
0x1: {  	s6 =	rddreg [dreg:$0x0]  }
0x2: {  	s1 =	rddreg [dreg:$0x1];
	s2 =	srdreg.scid  }
0x3: {  	s0 =	stileid.u32;
	s3 =	rddreg [dreg:$0x2]  }
0x4: {  	s4 =	rddreg [dreg:$0x3];
	s7 =	sand.u32 $0x1, s2;
	s8 =	smul.u32 $0x280, s0  }
0x5: {  	s5 =	simm.s32 $0x0;
	s2 =	rddreg [dreg:$0x4];
	s9 =	smul.u32 $0x2800, s7  }
0x6: {  	s14 =	simm.s32 $0x0;
	[smem:$0x7FF] =	sst s5;
	s10 =	smul.u32 $0x5000, s7  }
0x7: {  	s12 =	smul.u32 $0x500, s0;
	_ =	strace $0x80000047;
	s7 =	ssub.s32 $0x2, s7  }
0x8: {  	s31 =	sshrl.u32 s7, $0x1;
	s9 =	sadd.s32 s8, s9;
	s10 =	sadd.s32 s10, s6  }
0x9: {  	s11 =	ssub.s32 s7, s31;
	s9 =	sshrl.u32 s9, $0x3;
	s13 =	sadd.s32 $0x2C00, s10  }
0xa: {  	s10 =	simm.s32 $0x1;
	s9 =	sadd.s32 s9, s6;
	s6 =	sadd.s32 s8, s4  }
0xb: {  	s8 =	smax.u32 s11, $0x1;
	s11 =	sadd.s32 s12, s13;
	s12 =	simm.s32 $0x2800  }
0xc: {  	s13 =	simm.s32 $0x80;
	s7 =	sadd.s32 $0xCC00, s9;
	s9 =	simm.s32 $0x2880  }
.LBB2_1:
0xd: {  	[tilespmem:s9], [sflag:$0x1] =	stream.linear.gather [hbm4b:s1+s5], $0x280, $0x38;
	[tilespmem:$0x2D80] =	vst v63  }
0xe: {  	_ =	swait.ge [sflag:s10], $0x280  }
0xf: {  	[sflag:s10] =	ssyncset.done $0x0  }
0x10: {  	[sflag:s10] =	ssyncadd.s32 $0xFFFFFD80  }
0x11: {  	[spmem:s6] =	stream.linear.scatter [tilespmem:s9], [sflag:$0x1], $0x280, $0x38;
	[tilespmem:$0x2D80] =	vst v63  }
0x12: {  	_ =	swait.ge [sflag:s10], $0x280  }
0x13: {  	[sflag:s10] =	ssyncset.done $0x0  }
0x14: {  	[sflag:s10] =	ssyncadd.s32 $0xFFFFFD80  }
0x15: {  	[tilespmem:s5], [sflag:$0x1] =	stream.linear.gather [hbm4b:s11+s5], $0x2800, $0x38;
	[tilespmem:$0x2D80] =	vst v63  }
0x16: {  	_ =	swait.ge [sflag:s10], $0x2800  }
0x17: {  	[sflag:s10] =	ssyncset.done $0x0  }
0x18: {  	[sflag:s10] =	ssyncadd.s32 $0xFFFFD800  }
0x19: {  	[tilespmem:s12], [sflag:$0x1] =	stream.linear.gather [hbm4b:s3+s5], $0x80, $0x38;
	[tilespmem:$0x2D80] =	vst v63  }
0x1a: {  	_ =	swait.ge [sflag:s10], $0x80  }
0x1b: {  	[sflag:s10] =	ssyncset.done $0x0  }
0x1c: {  	[sflag:s10] =	ssyncadd.s32 $0xFFFFFF80  }
0x1d: {  	s15 =	simm.s32 $0x0;
	[bflag:$0x0] =	sbarrier.arrive $0xFFFF  }
0x1e: {  	[spmem:s4] =	stream.indirect.scatter.add.f32 [tilespmem:s12], [sflag:$0x1], $0x1, s15, s13, $0xb8;
	[tilespmem:$0x2D80] =	vst v63  }
0x1f: {  	_ =	swait.ge [sflag:s10], $0x80  }
0x20: {  	s15 =	simm.s32 $0x200;
	[sflag:s10] =	ssyncset.done $0x0  }
.LBB2_2:
0x21: {  	s16 =	sshra.s32 s15, $0x2;
	[sflag:s10] =	ssyncadd.s32 $0xFFFFFF80;
	p0 =	sne.s32 s15, $0x9E00  }
0x22: {  	[spmem:s4] =	stream.indirect.scatter.add.f32 [tilespmem:s12], [sflag:$0x1], $0x1, s16, s13, $0xb8;
	[tilespmem:$0x2D80] =	vst v63  }
.Ltmp0:
0x23: {  	_ = 	snop;
	(pc) =	sbr.rel @p0 .LBB2_2-.Ltmp0, $4  }
0x24: {  	_ = 	snop  }
0x25: {  	s15 =	sadd.s32 $0x200, s15  }
0x26: {  	_ =	swait.ge [sflag:s10], $0x80  }
0x27: {  	[sflag:s10] =	ssyncset.done $0x0  }
0x28: {  	[sflag:s10] =	ssyncadd.s32 $0xFFFFFF80  }
0x29: {  	[bflag:$0x0] =	sbarrier.arrive $0xFFFF  }
0x2a: {  	[tilespmem:s9], [sflag:$0x1] =	stream.linear.gather [spmem:s6], $0x280, $0x38;
	[tilespmem:$0x2D80] =	vst v63  }
0x2b: {  	s14 =	sadd.s32 $0x1, s14;
	_ =	swait.ge [sflag:s10], $0x280  }
0x2c: {  	p0 =	sne.s32 s14, s8;
	[sflag:s10] =	ssyncset.done $0x0  }
.Ltmp1:
0x2d: {  	[sflag:s10] =	ssyncadd.s32 $0xFFFFFD80;
	(pc) =	sbr.rel @p0 .LBB2_1-.Ltmp1, $4  }
0x2e: {  	[hbm4b:s7+s5] =	stream.linear.scatter [tilespmem:s9], [sflag:$0x1], $0x280, $0x38;
	[tilespmem:$0x2D80] =	vst v63  }
0x2f: {  	_ =	swait.ge [sflag:s10], $0x280  }
0x30: {  	[sflag:s10] =	ssyncset.done $0x0  }
0x31: {  	[sflag:s10] =	ssyncadd.s32 $0xFFFFFD80  }
0x32: {  	_ =	sfence.sel $0x180000  }
0x33: {  	[bflag:$0x0] =	sbarrier.arrive $0xFFFF  }
0x34: {  	p0 =	sne.s32 s0, $0x0;
	_ =	strace $0x90000047  }
0x35: {  	s0 =	sadd.s32 @!p0 $0x100000, s2;
	[bflag:$0x2] =	sbarrier.arrive $0xFFFF  }
0x36: {  	[sflag:s0] =	ssyncadd.tile.s32 @!p0 $0x1;
	_ =	shalt  }
.Lfunc_end2:
_tile_overlayer_lowered:
.L_overlay_start_2:
0x37: {  	(tag) =	ssettag $0x2  }
0x38: {  	s0 =	rddreg [dreg:$0x0];
	s2 =	stileid.u32  }
0x39: {  	s1 =	rddreg [dreg:$0x1];
	p0 =	sne.s32 s2, $0x0  }
0x3a: {  	s3 =	rddreg [dreg:$0x2];
	[bflag:$0x3] =	sbarrier.arrive $0xFFFF;
	s2 =	simm.s32 @!p0 $0x1C01  }
0x3b: {  	[timem:s3], [sflag:s2] =	dma.local @!p0 [hbm:s0], s1  }
0x3c: {  	s0 =	simm.s32 @!p0 $0x1  }
0x3d: {  	_ =	swait.ge @!p0 [sflag:s0], s1  }
0x3e: {  	s1 =	ssub.s32 @!p0 $0x0, s1;
	[sflag:s0] =	ssyncset.done @!p0 $0x0  }
0x3f: {  	[sflag:s0] =	ssyncadd.s32 @!p0 s1  }
0x40: {  	[bflag:$0x3] =	sbarrier.arrive $0xFFFF  }
0x41: {  	_ =	shalt  }

</sc_bundles>
